<compile_context>
chip_gen: v7x
topology: tpu7x:2x2x1
jax: 0.10.2.dev20260603
libtpu: 0.0.44.dev20260713+nightly
codegen_flags: <defaults>
</compile_context>

<pallas_src>
import functools

import jax
import jax.numpy as jnp
from jax import lax
from jax.experimental import pallas as pl
from jax.experimental.pallas import tpu as pltpu
from jax.experimental.pallas import tpu_sc as plsc


def _sc_gather_rows(table, idx_pad):
    n_pad = idx_pad.shape[0]
    d = table.shape[1]
    info = plsc.get_sparse_core_info()
    nc, ns = info.num_cores, info.num_subcores
    nw = nc * ns
    b_per_w = n_pad // nw
    mesh = plsc.VectorSubcoreMesh(core_axis_name="c", subcore_axis_name="s")

    @functools.partial(
        pl.kernel,
        mesh=mesh,
        out_type=jax.ShapeDtypeStruct((n_pad, d), jnp.float32),
        scratch_types=[
            pltpu.VMEM((b_per_w,), jnp.int32),
            pltpu.VMEM((b_per_w, d), jnp.float32),
            pltpu.SemaphoreType.DMA,
        ],
    )
    def gather_k(table_hbm, idx_hbm, out_hbm, idx_v, rows_v, sem):
        wid = lax.axis_index("s") * nc + lax.axis_index("c")
        base = wid * b_per_w
        pltpu.sync_copy(idx_hbm.at[pl.ds(base, b_per_w)], idx_v)
        pltpu.async_copy(table_hbm.at[idx_v], rows_v, sem).wait()
        pltpu.sync_copy(rows_v, out_hbm.at[pl.ds(base, b_per_w)])

    return gather_k(table, idx_pad)


def _step_body(Q, B, E, H,
               q1ht_ref, rt_ref, ei_t_ref, ei_ref,
               qemb_ref, xq_ref, init_ref, bias_ref,
               w1s_ref, b1s_ref, w2s_ref, b2s_ref,
               w1o_ref, b1o_ref, w2o_ref, b2o_ref,
               w1i_ref, b1i_ref, w2i_ref, b2i_ref,
               wi_ref, bi_ref, wh_ref, bh_ref,
               w1p_ref, b1p_ref, w2p_ref, b2p_ref, wout_ref,
               y_ref,
               ht_ref, gcomb_ref, gds_ref, bagg_ref,
               qembr_ref, u0r_ref, dur_ref, biasq_ref,
               wallb_ref, b1b_ref, w2sb_ref, w2stk_ref,
               wgrzb_ref, brz_ref, winb_ref, whnb_ref,
               w1ptb_ref, qep_ref, vwb_ref):
    t = pl.program_id(0)
    N = Q * B

    dot = lambda a, b: jnp.dot(a, b, preferred_element_type=jnp.float32)
    bf = lambda x: x.astype(jnp.bfloat16)
    rep = lambda x: jnp.broadcast_to(x[:, None, :], (Q, B, x.shape[-1])
                                     ).reshape(N, x.shape[-1])

    @pl.when(t == 0)
    def _init():
        ht_ref[...] = rep(init_ref[...])
        src_col = ei_t_ref[:, 0:1]
        dst_col = ei_t_ref[:, 1:2]
        iota_eq = lax.broadcasted_iota(jnp.int32, (E, 2 * Q), 1)
        gcomb_ref[...] = jnp.logical_or(
            iota_eq == src_col, iota_eq == (dst_col + Q)).astype(jnp.bfloat16)
        src_row = ei_ref[0:1, :]
        dst_row = ei_ref[1:2, :]
        iota_qe = lax.broadcasted_iota(jnp.int32, (Q, E), 0)
        gdt = (iota_qe == dst_row).astype(jnp.float32)
        gst = (iota_qe == src_row).astype(jnp.float32)
        gds_ref[...] = jnp.concatenate([gdt, gst], axis=0).astype(jnp.bfloat16)
        deg_d = jnp.sum(gdt, axis=1, keepdims=True)
        deg_s = jnp.sum(gst, axis=1, keepdims=True)
        bnode = (deg_d * b2o_ref[...] + deg_s * b2i_ref[...]
                 + b2s_ref[...])
        bagg_ref[...] = rep(bnode)
        qemb = qemb_ref[...]
        xq0 = xq_ref[:Q, :]
        xq1 = xq_ref[Q:, :]
        f0 = rep(qemb)
        qembr_ref[...] = bf(f0)
        u0r_ref[...] = bf(rep(xq0 - qemb))
        dur_ref[...] = bf(rep(xq1 - xq0))
        biasq_ref[...] = rep(bias_ref[...]) + dot(b2p_ref[...], wout_ref[...])
        w1o = w1o_ref[...]
        w1i = w1i_ref[...]
        wsb = jnp.concatenate([w1o[:2 * H], w1i[2 * H:]], axis=1)
        wdb = jnp.concatenate([w1o[2 * H:], w1i[:2 * H]], axis=1)
        wallb_ref[...] = bf(jnp.concatenate([wsb, wdb, w1s_ref[...]], axis=1))
        b1b_ref[...] = jnp.concatenate(
            [b1o_ref[...], b1i_ref[...], jnp.zeros((1, 2 * H), jnp.float32),
             b1s_ref[...]], axis=1)
        w2sb_ref[...] = bf(w2s_ref[...])
        w2stk_ref[...] = bf(jnp.concatenate(
            [w2o_ref[...], w2i_ref[...]], axis=0))
        wi = wi_ref[...]
        wh = wh_ref[...]
        wgrzb_ref[...] = bf(wi[:, :2 * H] + jnp.concatenate(
            [wh[:, :2 * H], jnp.zeros((H, 2 * H), jnp.float32)], axis=0))
        brz_ref[...] = bi_ref[...][:, :2 * H] + bh_ref[...][:, :2 * H]
        winb_ref[...] = bf(wi[:, 2 * H:])
        whnb_ref[...] = bf(wh[:, 2 * H:])
        w1p = w1p_ref[...]
        w1ptb_ref[...] = bf(w1p[:H])
        qep_ref[...] = bf(dot(f0, w1p[H:]) + b1p_ref[...])
        vwb_ref[...] = bf(dot(w2p_ref[...], wout_ref[...]))

    ht = ht_ref[...]
    htb = bf(ht)

    qm = q1ht_ref[0]
    qv = jnp.broadcast_to(qm[:, :, None], (Q, B, H)).reshape(N, H)
    qvb = bf(qv)
    rv = rt_ref[0]
    rvb = bf(jnp.broadcast_to(rv[:, :, None], (Q, B, H)).reshape(N, H))

    featb = qembr_ref[...] + qvb * (u0r_ref[...] + rvb * dur_ref[...])
    m2b = jnp.concatenate([htb, featb], axis=1)

    proj = dot(m2b, wallb_ref[...]) + b1b_ref[...]

    h1s = jnp.maximum(proj[:, 4 * H:], 0.0)
    m_self = dot(bf(h1s), w2sb_ref[...])

    ps = bf(proj[:, :2 * H])
    pd = bf(proj[:, 2 * H:4 * H])
    psd = jnp.concatenate(
        [ps.reshape(Q, B * 2 * H), pd.reshape(Q, B * 2 * H)], axis=0)
    pre_v = dot(gcomb_ref[...], psd)
    h1v = bf(jnp.maximum(pre_v, 0.0))

    a_ds = dot(gds_ref[...], h1v)
    lane = lax.broadcasted_iota(jnp.int32, (1, B * 2 * H), 1)
    out_half = (lane % (2 * H)) < H
    comb = bf(jnp.where(out_half, a_ds[:Q], a_ds[Q:])).reshape(N, 2 * H)
    agg = dot(comb, w2stk_ref[...])

    ht_ = m_self + agg + bagg_ref[...]

    hcat = jnp.concatenate([htb, bf(ht_)], axis=1)
    grz = dot(hcat, wgrzb_ref[...]) + brz_ref[...]
    rr = jax.nn.sigmoid(grz[:, :H])
    zz = jax.nn.sigmoid(grz[:, H:])
    gin = dot(hcat, winb_ref[...]) + bi_ref[...][:, 2 * H:]
    ghn = dot(htb, whnb_ref[...]) + bh_ref[...][:, 2 * H:]
    nn_ = jnp.tanh(gin + rr * ghn)
    hcand = (1.0 - zz) * nn_ + zz * ht
    hnew = ht + qv * (hcand - ht)
    ht_ref[...] = hnew

    h1p = jnp.maximum(dot(bf(hnew), w1ptb_ref[...]) + qep_ref[...], 0.0)
    logit = dot(bf(h1p), vwb_ref[...]) + biasq_ref[...]
    y_ref[...] = jax.nn.sigmoid(logit).reshape(1, N, 1)


def _run_scan(L, Q, B, E, H, ops, interpret=False):
    N = Q * B
    bf16 = jnp.bfloat16
    f32 = jnp.float32
    full = lambda shape: pl.BlockSpec(shape, lambda t: (0,) * len(shape))
    per_t = lambda shape: pl.BlockSpec((1,) + shape[1:], lambda t: (t,) + (0,) * (len(shape) - 1))
    in_specs = [
        per_t((L, Q, B)),
        per_t((L, 1, B)),
        full((E, 2)),
        full((2, E)),
        full((Q, H)), full((2 * Q, H)), full((Q, H)), full((Q, 1)),
        full((2 * H, H)), full((1, H)), full((H, H)), full((1, H)),
        full((4 * H, H)), full((1, H)), full((H, H)), full((1, H)),
        full((4 * H, H)), full((1, H)), full((H, H)), full((1, H)),
        full((2 * H, 3 * H)), full((1, 3 * H)), full((H, 3 * H)), full((1, 3 * H)),
        full((2 * H, H)), full((1, H)), full((H, H)), full((1, H)), full((H, 1)),
    ]
    body = functools.partial(_step_body, Q, B, E, H)
    return pl.pallas_call(
        body,
        grid=(L,),
        in_specs=in_specs,
        out_specs=per_t((L, N, 1)),
        out_shape=jax.ShapeDtypeStruct((L, N, 1), f32),
        scratch_shapes=[
            pltpu.VMEM((N, H), f32),
            pltpu.VMEM((E, 2 * Q), bf16),
            pltpu.VMEM((2 * Q, E), bf16),
            pltpu.VMEM((N, H), f32),
            pltpu.VMEM((N, H), bf16),
            pltpu.VMEM((N, H), bf16),
            pltpu.VMEM((N, H), bf16),
            pltpu.VMEM((N, 1), f32),
            pltpu.VMEM((2 * H, 5 * H), bf16),
            pltpu.VMEM((1, 5 * H), f32),
            pltpu.VMEM((H, H), bf16),
            pltpu.VMEM((2 * H, H), bf16),
            pltpu.VMEM((2 * H, 2 * H), bf16),
            pltpu.VMEM((1, 2 * H), f32),
            pltpu.VMEM((2 * H, H), bf16),
            pltpu.VMEM((H, H), bf16),
            pltpu.VMEM((H, H), bf16),
            pltpu.VMEM((N, H), bf16),
            pltpu.VMEM((H, 1), bf16),
        ],
        compiler_params=pltpu.CompilerParams(
            dimension_semantics=("arbitrary",),
        ),
        interpret=interpret,
    )(*ops)


def kernel(p, r, edge_index, pq_rel, params):
    B, L = p.shape
    E = edge_index.shape[1]
    Q = pq_rel.shape[1]
    H = params["q_emb"].shape[1]
    f32 = jnp.float32

    n = B * L
    n_pad = ((n + 255) // 256) * 256
    idx = jnp.concatenate(
        [p.reshape(-1).astype(jnp.int32),
         jnp.zeros((n_pad - n,), jnp.int32)])
    rows = _sc_gather_rows(pq_rel.astype(f32), idx)
    q1ht = jnp.transpose(rows[:n].reshape(B, L, Q), (1, 2, 0))

    rt = r.T.astype(f32).reshape(L, 1, B)
    ei = edge_index.astype(jnp.int32)
    ei_t = ei.T
    pr = params
    row = lambda a: a.reshape(1, -1)
    ops = (q1ht, rt, ei_t, ei,
           pr["q_emb"], pr["xq_emb"], pr["init_h"], pr["bias"].reshape(Q, 1),
           pr["mlp_self"]["W1"], row(pr["mlp_self"]["b1"]),
           pr["mlp_self"]["W2"], row(pr["mlp_self"]["b2"]),
           pr["mlp_outgo"]["W1"], row(pr["mlp_outgo"]["b1"]),
           pr["mlp_outgo"]["W2"], row(pr["mlp_outgo"]["b2"]),
           pr["mlp_income"]["W1"], row(pr["mlp_income"]["b1"]),
           pr["mlp_income"]["W2"], row(pr["mlp_income"]["b2"]),
           pr["gru"]["Wi"], row(pr["gru"]["bi"]),
           pr["gru"]["Wh"], row(pr["gru"]["bh"]),
           pr["mlp_pred"]["W1"], row(pr["mlp_pred"]["b1"]),
           pr["mlp_pred"]["W2"], row(pr["mlp_pred"]["b2"]), pr["w_out"])
    out = _run_scan(L, Q, B, E, H, ops)
    return jnp.transpose(out.reshape(L, Q, B), (2, 0, 1))

# --- scband reference (transcript-rebuilt; emitter-appended) ---
"""Pipeline reference for scband-mygkt-88338887344573 (READ-ONLY COPY).

The authoritative reference and input builder live on the scoring server;
editing this copy changes nothing except your own understanding.
"""

import jax, jax.numpy as jnp
import numpy as np

NUM_Q = 128
NUM_P = 10000
H = 64
B = 32
L = 20
E = 512


def _mlp_params(key, din, dout):
    k1, k2 = jax.random.split(key)
    return {"W1": jax.random.normal(k1, (din, dout), jnp.float32) * 0.05,
            "b1": jnp.zeros((dout,), jnp.float32),
            "W2": jax.random.normal(k2, (dout, dout), jnp.float32) * 0.05,
            "b2": jnp.zeros((dout,), jnp.float32)}


def _mlp(p, x):
    h = jnp.maximum(x @ p["W1"] + p["b1"], 0.0)
    return h @ p["W2"] + p["b2"]


def _gru_params(key, din, dh):
    k1, k2 = jax.random.split(key)
    return {"Wi": jax.random.normal(k1, (din, 3 * dh), jnp.float32) * 0.05,
            "Wh": jax.random.normal(k2, (dh, 3 * dh), jnp.float32) * 0.05,
            "bi": jnp.zeros((3 * dh,), jnp.float32),
            "bh": jnp.zeros((3 * dh,), jnp.float32)}


def _gru_cell(p, x, h):
    gi = x @ p["Wi"] + p["bi"]
    gh = h @ p["Wh"] + p["bh"]
    ir, iz, inn = jnp.split(gi, 3, axis=-1)
    hr, hz, hn = jnp.split(gh, 3, axis=-1)
    rr = jax.nn.sigmoid(ir + hr)
    zz = jax.nn.sigmoid(iz + hz)
    nn = jnp.tanh(inn + rr * hn)
    return (1.0 - zz) * nn + zz * h


def setup_inputs(seed: int = 0):
    key = jax.random.key(seed)
    ks = jax.random.split(key, 12)
    p = jax.random.randint(ks[0], (B, L), 0, NUM_P)
    r = jax.random.randint(ks[1], (B, L), 0, 2)
    edge_index = jnp.stack([jax.random.randint(ks[2], (E,), 0, NUM_Q),
                            jax.random.randint(ks[3], (E,), 0, NUM_Q)], axis=0)
    c1 = jax.random.randint(ks[4], (NUM_P,), 0, NUM_Q)
    c2 = jax.random.randint(ks[5], (NUM_P,), 0, NUM_Q)
    pq_rel = jnp.clip(jax.nn.one_hot(c1, NUM_Q, dtype=jnp.float32) + jax.nn.one_hot(c2, NUM_Q, dtype=jnp.float32), 0.0, 1.0)
    params = {
        "xq_emb": jax.random.normal(ks[6], (2 * NUM_Q, H), jnp.float32) * 0.05,
        "q_emb": jax.random.normal(ks[7], (NUM_Q, H), jnp.float32) * 0.05,
        "init_h": jax.random.normal(ks[8], (NUM_Q, H), jnp.float32) * 0.05,
        "mlp_self": _mlp_params(ks[9], 2 * H, H),
        "mlp_outgo": _mlp_params(ks[10], 4 * H, H),
        "mlp_income": _mlp_params(ks[11], 4 * H, H),
        "gru": _gru_params(jax.random.fold_in(key, 101), 2 * H, H),
        "mlp_pred": _mlp_params(jax.random.fold_in(key, 102), 2 * H, H),
        "w_out": jax.random.normal(jax.random.fold_in(key, 103), (H, 1), jnp.float32) * 0.05,
        "bias": jnp.zeros((NUM_Q,), jnp.float32),
    }
    return {"p": p, "r": r, "edge_index": edge_index, "pq_rel": pq_rel, "params": params}


def _forward(p, r, edge_index, pq_rel, params):
    batch = p.shape[0]
    p1h = jax.nn.one_hot(p, NUM_P, dtype=jnp.float32)
    q_onehot = p1h @ pq_rel
    xq_emb = params["xq_emb"]
    q_emb = params["q_emb"]
    src = edge_index[0]
    dst = edge_index[1]
    ht0 = jnp.broadcast_to(params["init_h"][None], (batch, NUM_Q, H))
    q_emb_b = jnp.broadcast_to(q_emb[None], (batch, NUM_Q, H))

    def step(ht, inp):
        rt, qt1h = inp
        xe = jnp.where(rt[:, None, None] > 0, xq_emb[NUM_Q:][None], xq_emb[:NUM_Q][None])
        feat = qt1h[..., None] * xe + (1.0 - qt1h[..., None]) * q_emb[None]
        m = jnp.concatenate([ht, feat], axis=-1)
        m_self = _mlp(params["mlp_self"], m)
        ms = m[:, src, :]
        md = m[:, dst, :]
        msg_out = _mlp(params["mlp_outgo"], jnp.concatenate([ms, md], axis=-1))
        msg_in = _mlp(params["mlp_income"], jnp.concatenate([md, ms], axis=-1))
        agg = jnp.zeros((batch, NUM_Q, H), jnp.float32)
        agg = agg.at[:, dst, :].add(msg_out)
        agg = agg.at[:, src, :].add(msg_in)
        ht_ = m_self + agg
        hcand = _gru_cell(params["gru"], jnp.concatenate([ht, ht_], axis=-1), ht)
        hnew = qt1h[..., None] * hcand + (1.0 - qt1h[..., None]) * ht
        pred_in = jnp.concatenate([hnew, q_emb_b], axis=-1)
        yt = jax.nn.sigmoid((_mlp(params["mlp_pred"], pred_in) @ params["w_out"])[..., 0] + params["bias"][None, :])
        return hnew, yt

    _, ys = jax.lax.scan(step, ht0, (r.T, jnp.transpose(q_onehot, (1, 0, 2))))
    return jnp.transpose(ys, (1, 0, 2))


def reference(p, r, edge_index, pq_rel, params):
    return _forward(p, r, edge_index, pq_rel, params)

if __name__ == "__main__":
    import jax
    _d = setup_inputs()
    print(jax.jit(kernel)(*tuple(_d.values())))

</pallas_src>

<mosaic_0001>
#map = affine_map<(d0, d1) -> (0, 0)>
#map1 = affine_map<(d0, d1) -> (0)>
module attributes {stable_mosaic.version = 14 : i64} {
  func.func @gather_k(%arg0: i32, %arg1: i32, %arg2: memref<10000x128xf32, #tpu.memory_space<hbm>>, %arg3: memref<768xi32, #tpu.memory_space<hbm>>, %arg4: memref<768x128xf32, #tpu.memory_space<hbm>>, %arg5: memref<24xi32, #tpu.memory_space<vmem>>, %arg6: memref<24x128xf32, #tpu.memory_space<vmem>>, %arg7: memref<!tpu.dma_semaphore, #tpu.memory_space<semaphore_mem>>) attributes {dimension_semantics = [#tpu.dimension_semantics<core_parallel>, #tpu.dimension_semantics<subcore_parallel>], iteration_bounds = array<i64: 2, 16>, scalar_prefetch = 0 : i64, scratch_operands = 3 : i64, tpu.core_type = #tpu.core_type<sc_vector_subcore>, window_params = [{transform_indices = #map}, {transform_indices = #map1}, {transform_indices = #map}]} {
    %mul3A = arith.constant 2 : i32
    %mul3A_0 = arith.muli %arg1, %mul3A : i32
    %add3A = arith.addi %mul3A_0, %arg0 : i32
    %mul3A_1 = arith.constant 24 : i32
    %mul3A_2 = arith.muli %add3A, %mul3A_1 : i32
    "tpu.region"() ({
      %run_scoped3A = tpu.sem_alloc : memref<!tpu.dma_semaphore, #tpu.memory_space<semaphore_mem>>
      %dma_start3A_7 = tpu.memref_slice %arg3[%mul3A_2] : memref<768xi32, #tpu.memory_space<hbm>> -> memref<24xi32, #tpu.memory_space<hbm>>
      %dma_start3A_8 = tpu.memref_slice %arg3[%mul3A_2] : memref<768xi32, #tpu.memory_space<hbm>> -> memref<24xi32, #tpu.memory_space<hbm>>
      tpu.enqueue_dma source(%dma_start3A_8 : memref<24xi32, #tpu.memory_space<hbm>>) target(%arg5 : memref<24xi32, #tpu.memory_space<vmem>>) target_semaphore(%run_scoped3A : memref<!tpu.dma_semaphore, #tpu.memory_space<semaphore_mem>>)
      %dma_wait3A_9 = tpu.memref_slice %arg3[%mul3A_2] : memref<768xi32, #tpu.memory_space<hbm>> -> memref<24xi32, #tpu.memory_space<hbm>>
      %dma_wait3A_10 = tpu.memref_slice %arg3[%mul3A_2] : memref<768xi32, #tpu.memory_space<hbm>> -> memref<24xi32, #tpu.memory_space<hbm>>
      tpu.wait_dma2 semaphore(%run_scoped3A : memref<!tpu.dma_semaphore, #tpu.memory_space<semaphore_mem>>) src(%dma_wait3A_10 : memref<24xi32, #tpu.memory_space<hbm>>) dst(%arg5 : memref<24xi32, #tpu.memory_space<vmem>>)
      tpu.yield
    }) : () -> ()
    %dma_start3A = arith.constant 0 : i32
    %dma_start3A_3 = arith.constant 0 : i32
    %dma_start3A_4 = tpu.memref_slice %arg2[%dma_start3A, %dma_start3A_3] : memref<10000x128xf32, #tpu.memory_space<hbm>> -> memref<10000x128xf32, #tpu.memory_space<hbm>>
    tpu.enqueue_indirect_dma source(%dma_start3A_4 : memref<10000x128xf32, #tpu.memory_space<hbm>>) target(%arg6 : memref<24x128xf32, #tpu.memory_space<vmem>>) offsets(%arg5 : memref<24xi32, #tpu.memory_space<vmem>>) semaphore(%arg7 : memref<!tpu.dma_semaphore, #tpu.memory_space<semaphore_mem>>)
    %dma_wait3A = arith.constant 0 : i32
    %dma_wait3A_5 = arith.constant 0 : i32
    %dma_wait3A_6 = tpu.memref_slice %arg2[%dma_wait3A, %dma_wait3A_5] : memref<10000x128xf32, #tpu.memory_space<hbm>> -> memref<10000x128xf32, #tpu.memory_space<hbm>>
    tpu.wait_indirect_dma semaphore(%arg7 : memref<!tpu.dma_semaphore, #tpu.memory_space<semaphore_mem>>) src(%dma_wait3A_6 : memref<10000x128xf32, #tpu.memory_space<hbm>>) dst(%arg6 : memref<24x128xf32, #tpu.memory_space<vmem>>)
    "tpu.region"() ({
      %run_scoped3A = tpu.sem_alloc : memref<!tpu.dma_semaphore, #tpu.memory_space<semaphore_mem>>
      %dma_start3A_7 = arith.constant 0 : i32
      %dma_start3A_8 = tpu.memref_slice %arg4[%mul3A_2, %dma_start3A_7] : memref<768x128xf32, #tpu.memory_space<hbm>> -> memref<24x128xf32, #tpu.memory_space<hbm>>
      %dma_start3A_9 = arith.constant 0 : i32
      %dma_start3A_10 = tpu.memref_slice %arg4[%mul3A_2, %dma_start3A_9] : memref<768x128xf32, #tpu.memory_space<hbm>> -> memref<24x128xf32, #tpu.memory_space<hbm>>
      tpu.enqueue_dma source(%arg6 : memref<24x128xf32, #tpu.memory_space<vmem>>) target(%dma_start3A_10 : memref<24x128xf32, #tpu.memory_space<hbm>>) target_semaphore(%run_scoped3A : memref<!tpu.dma_semaphore, #tpu.memory_space<semaphore_mem>>)
      %dma_wait3A_11 = arith.constant 0 : i32
      %dma_wait3A_12 = tpu.memref_slice %arg4[%mul3A_2, %dma_wait3A_11] : memref<768x128xf32, #tpu.memory_space<hbm>> -> memref<24x128xf32, #tpu.memory_space<hbm>>
      %dma_wait3A_13 = arith.constant 0 : i32
      %dma_wait3A_14 = tpu.memref_slice %arg4[%mul3A_2, %dma_wait3A_13] : memref<768x128xf32, #tpu.memory_space<hbm>> -> memref<24x128xf32, #tpu.memory_space<hbm>>
      tpu.wait_dma2 semaphore(%run_scoped3A : memref<!tpu.dma_semaphore, #tpu.memory_space<semaphore_mem>>) src(%arg6 : memref<24x128xf32, #tpu.memory_space<vmem>>) dst(%dma_wait3A_14 : memref<24x128xf32, #tpu.memory_space<hbm>>)
      tpu.yield
    }) : () -> ()
    return
  }
}

module attributes {stable_mosaic.version = 14 : i64} {
  func.func @_step_body(%arg0: i32, %arg1: memref<1x128x32xf32, #tpu.memory_space<vmem>>, %arg2: memref<1x1x32xf32, #tpu.memory_space<vmem>>, %arg3: memref<512x2xi32, #tpu.memory_space<vmem>>, %arg4: memref<2x512xi32, #tpu.memory_space<vmem>>, %arg5: memref<128x64xf32, #tpu.memory_space<vmem>>, %arg6: memref<256x64xf32, #tpu.memory_space<vmem>>, %arg7: memref<128x64xf32, #tpu.memory_space<vmem>>, %arg8: memref<128x1xf32, #tpu.memory_space<vmem>>, %arg9: memref<128x64xf32, #tpu.memory_space<vmem>>, %arg10: memref<1x64xf32, #tpu.memory_space<vmem>>, %arg11: memref<64x64xf32, #tpu.memory_space<vmem>>, %arg12: memref<1x64xf32, #tpu.memory_space<vmem>>, %arg13: memref<256x64xf32, #tpu.memory_space<vmem>>, %arg14: memref<1x64xf32, #tpu.memory_space<vmem>>, %arg15: memref<64x64xf32, #tpu.memory_space<vmem>>, %arg16: memref<1x64xf32, #tpu.memory_space<vmem>>, %arg17: memref<256x64xf32, #tpu.memory_space<vmem>>, %arg18: memref<1x64xf32, #tpu.memory_space<vmem>>, %arg19: memref<64x64xf32, #tpu.memory_space<vmem>>, %arg20: memref<1x64xf32, #tpu.memory_space<vmem>>, %arg21: memref<128x192xf32, #tpu.memory_space<vmem>>, %arg22: memref<1x192xf32, #tpu.memory_space<vmem>>, %arg23: memref<64x192xf32, #tpu.memory_space<vmem>>, %arg24: memref<1x192xf32, #tpu.memory_space<vmem>>, %arg25: memref<128x64xf32, #tpu.memory_space<vmem>>, %arg26: memref<1x64xf32, #tpu.memory_space<vmem>>, %arg27: memref<64x64xf32, #tpu.memory_space<vmem>>, %arg28: memref<1x64xf32, #tpu.memory_space<vmem>>, %arg29: memref<64x1xf32, #tpu.memory_space<vmem>>, %arg30: memref<1x4096x1xf32, #tpu.memory_space<vmem>>, %arg31: memref<4096x64xf32, #tpu.memory_space<vmem>>, %arg32: memref<512x256xbf16, #tpu.memory_space<vmem>>, %arg33: memref<256x512xbf16, #tpu.memory_space<vmem>>, %arg34: memref<4096x64xf32, #tpu.memory_space<vmem>>, %arg35: memref<4096x64xbf16, #tpu.memory_space<vmem>>, %arg36: memref<4096x64xbf16, #tpu.memory_space<vmem>>, %arg37: memref<4096x64xbf16, #tpu.memory_space<vmem>>, %arg38: memref<4096x1xf32, #tpu.memory_space<vmem>>, %arg39: memref<128x320xbf16, #tpu.memory_space<vmem>>, %arg40: memref<1x320xf32, #tpu.memory_space<vmem>>, %arg41: memref<64x64xbf16, #tpu.memory_space<vmem>>, %arg42: memref<128x64xbf16, #tpu.memory_space<vmem>>, %arg43: memref<128x128xbf16, #tpu.memory_space<vmem>>, %arg44: memref<1x128xf32, #tpu.memory_space<vmem>>, %arg45: memref<128x64xbf16, #tpu.memory_space<vmem>>, %arg46: memref<64x64xbf16, #tpu.memory_space<vmem>>, %arg47: memref<64x64xbf16, #tpu.memory_space<vmem>>, %arg48: memref<4096x64xbf16, #tpu.memory_space<vmem>>, %arg49: memref<64x1xbf16, #tpu.memory_space<vmem>>) attributes {dimension_semantics = [#tpu.dimension_semantics<arbitrary>], iteration_bounds = array<i64: 20>, scalar_prefetch = 0 : i64, scratch_operands = 19 : i64, tpu.core_type = #tpu.core_type<tc>, window_params = [{transform_indices = @transform_0, window_bounds = array<i64: 1, 128, 32>}, {transform_indices = @transform_1, window_bounds = array<i64: 1, 1, 32>}, {pipeline_mode = #tpu.pipeline_mode<synchronous>, transform_indices = @transform_2, window_bounds = array<i64: 512, 2>}, {pipeline_mode = #tpu.pipeline_mode<synchronous>, transform_indices = @transform_3, window_bounds = array<i64: 2, 512>}, {pipeline_mode = #tpu.pipeline_mode<synchronous>, transform_indices = @transform_4, window_bounds = array<i64: 128, 64>}, {pipeline_mode = #tpu.pipeline_mode<synchronous>, transform_indices = @transform_5, window_bounds = array<i64: 256, 64>}, {pipeline_mode = #tpu.pipeline_mode<synchronous>, transform_indices = @transform_6, window_bounds = array<i64: 128, 64>}, {pipeline_mode = #tpu.pipeline_mode<synchronous>, transform_indices = @transform_7, window_bounds = array<i64: 128, 1>}, {pipeline_mode = #tpu.pipeline_mode<synchronous>, transform_indices = @transform_8, window_bounds = array<i64: 128, 64>}, {pipeline_mode = #tpu.pipeline_mode<synchronous>, transform_indices = @transform_9, window_bounds = array<i64: 1, 64>}, {pipeline_mode = #tpu.pipeline_mode<synchronous>, transform_indices = @transform_10, window_bounds = array<i64: 64, 64>}, {pipeline_mode = #tpu.pipeline_mode<synchronous>, transform_indices = @transform_11, window_bounds = array<i64: 1, 64>}, {pipeline_mode = #tpu.pipeline_mode<synchronous>, transform_indices = @transform_12, window_bounds = array<i64: 256, 64>}, {pipeline_mode = #tpu.pipeline_mode<synchronous>, transform_indices = @transform_13, window_bounds = array<i64: 1, 64>}, {pipeline_mode = #tpu.pipeline_mode<synchronous>, transform_indices = @transform_14, window_bounds = array<i64: 64, 64>}, {pipeline_mode = #tpu.pipeline_mode<synchronous>, transform_indices = @transform_15, window_bounds = array<i64: 1, 64>}, {pipeline_mode = #tpu.pipeline_mode<synchronous>, transform_indices = @transform_16, window_bounds = array<i64: 256, 64>}, {pipeline_mode = #tpu.pipeline_mode<synchronous>, transform_indices = @transform_17, window_bounds = array<i64: 1, 64>}, {pipeline_mode = #tpu.pipeline_mode<synchronous>, transform_indices = @transform_18, window_bounds = array<i64: 64, 64>}, {pipeline_mode = #tpu.pipeline_mode<synchronous>, transform_indices = @transform_19, window_bounds = array<i64: 1, 64>}, {pipeline_mode = #tpu.pipeline_mode<synchronous>, transform_indices = @transform_20, window_bounds = array<i64: 128, 192>}, {pipeline_mode = #tpu.pipeline_mode<synchronous>, transform_indices = @transform_21, window_bounds = array<i64: 1, 192>}, {pipeline_mode = #tpu.pipeline_mode<synchronous>, transform_indices = @transform_22, window_bounds = array<i64: 64, 192>}, {pipeline_mode = #tpu.pipeline_mode<synchronous>, transform_indices = @transform_23, window_bounds = array<i64: 1, 192>}, {pipeline_mode = #tpu.pipeline_mode<synchronous>, transform_indices = @transform_24, window_bounds = array<i64: 128, 64>}, {pipeline_mode = #tpu.pipeline_mode<synchronous>, transform_indices = @transform_25, window_bounds = array<i64: 1, 64>}, {pipeline_mode = #tpu.pipeline_mode<synchronous>, transform_indices = @transform_26, window_bounds = array<i64: 64, 64>}, {pipeline_mode = #tpu.pipeline_mode<synchronous>, transform_indices = @transform_27, window_bounds = array<i64: 1, 64>}, {pipeline_mode = #tpu.pipeline_mode<synchronous>, transform_indices = @transform_28, window_bounds = array<i64: 64, 1>}, {transform_indices = @transform_29, window_bounds = array<i64: 1, 4096, 1>}]} {
    %eq3A = arith.constant 0 : i32
    %eq3A_0 = arith.cmpi eq, %arg0, %eq3A : i32
    %convert_element_type3A = arith.extui %eq3A_0 : i1 to i32
    %cond3A = arith.constant 0 : i32
    %cond3A_1 = arith.cmpi ne, %convert_element_type3A, %cond3A : i32
    scf.if %cond3A_1 {
      %get3A_202 = arith.constant 0 : index
      %get3A_203 = arith.constant 0 : index
      %get3A_204 = vector.load %arg7[%get3A_202, %get3A_203] : memref<128x64xf32, #tpu.memory_space<vmem>>, vector<128x64xf32>
      %broadcast_in_dim3A_205 = vector.shape_cast %get3A_204 : vector<128x64xf32> to vector<128x1x64xf32>
      %broadcast_in_dim3A_206 = vector.shape_cast %broadcast_in_dim3A_205 : vector<128x1x64xf32> to vector<128x1x64xf32>
      %broadcast_in_dim3A_207 = vector.broadcast %broadcast_in_dim3A_206 : vector<128x1x64xf32> to vector<128x32x64xf32>
      %reshape3A_208 = vector.shape_cast %broadcast_in_dim3A_207 : vector<128x32x64xf32> to vector<4096x64xf32>
      %swap3A_209 = arith.constant 0 : index
      %swap3A_210 = arith.constant 0 : index
      %swap3A_211 = vector.load %arg31[%swap3A_209, %swap3A_210] : memref<4096x64xf32, #tpu.memory_space<vmem>>, vector<4096x64xf32>
      tpu.vector_store %arg31[%swap3A_209, %swap3A_210], %reshape3A_208 {strides = array<i32>} : memref<4096x64xf32, #tpu.memory_space<vmem>>, vector<4096x64xf32>,
      %get3A_212 = arith.constant 0 : index
      %get3A_213 = arith.constant 0 : index
      %get3A_214 = vector.load %arg3[%get3A_212, %get3A_213] : memref<512x2xi32, #tpu.memory_space<vmem>>, vector<512x1xi32>
      %get3A_215 = arith.constant 0 : index
      %get3A_216 = arith.constant 1 : index
      %get3A_217 = vector.load %arg3[%get3A_215, %get3A_216] : memref<512x2xi32, #tpu.memory_space<vmem>>, vector<512x1xi32>
      %iota3A_218 = tpu.iota {dimensions = array<i32: 1>} : vector<512x256xi32>
      %eq3A_219 = vector.broadcast %get3A_214 : vector<512x1xi32> to vector<512x256xi32>
      %eq3A_220 = arith.cmpi eq, %iota3A_218, %eq3A_219 : vector<512x256xi32>
      %add3A_221 = arith.constant 128 : i32
      %add3A_222 = vector.broadcast %add3A_221 : i32 to vector<512x1xi32>
      %add3A_223 = arith.addi %get3A_217, %add3A_222 : vector<512x1xi32>
      %eq3A_224 = vector.broadcast %add3A_223 : vector<512x1xi32> to vector<512x256xi32>
      %eq3A_225 = arith.cmpi eq, %iota3A_218, %eq3A_224 : vector<512x256xi32>
      %or3A = arith.ori %eq3A_220, %eq3A_225 : vector<512x256xi1>
      %convert_element_type3A_226 = arith.extui %or3A : vector<512x256xi1> to vector<512x256xi32>
      %convert_element_type3A_227 = arith.sitofp %convert_element_type3A_226 : vector<512x256xi32> to vector<512x256xf32>
      %convert_element_type3A_228 = arith.truncf %convert_element_type3A_227 : vector<512x256xf32> to vector<512x256xbf16>
      %swap3A_229 = arith.constant 0 : index
      %swap3A_230 = arith.constant 0 : index
      %swap3A_231 = vector.load %arg32[%swap3A_229, %swap3A_230] : memref<512x256xbf16, #tpu.memory_space<vmem>>, vector<512x256xbf16>
      tpu.vector_store %arg32[%swap3A_229, %swap3A_230], %convert_element_type3A_228 {strides = array<i32>} : memref<512x256xbf16, #tpu.memory_space<vmem>>, vector<512x256xbf16>,
      %get3A_232 = arith.constant 0 : index
      %get3A_233 = arith.constant 0 : index
      %get3A_234 = vector.load %arg4[%get3A_232, %get3A_233] : memref<2x512xi32, #tpu.memory_space<vmem>>, vector<1x512xi32>
      %get3A_235 = arith.constant 1 : index
      %get3A_236 = arith.constant 0 : index
      %get3A_237 = vector.load %arg4[%get3A_235, %get3A_236] : memref<2x512xi32, #tpu.memory_space<vmem>>, vector<1x512xi32>
      %iota3A_238 = tpu.iota {dimensions = array<i32: 0>} : vector<128x512xi32>
      %eq3A_239 = vector.broadcast %get3A_237 : vector<1x512xi32> to vector<128x512xi32>
      %eq3A_240 = arith.cmpi eq, %iota3A_238, %eq3A_239 : vector<128x512xi32>
      %convert_element_type3A_241 = arith.extui %eq3A_240 : vector<128x512xi1> to vector<128x512xi32>
      %convert_element_type3A_242 = arith.sitofp %convert_element_type3A_241 : vector<128x512xi32> to vector<128x512xf32>
      %eq3A_243 = vector.broadcast %get3A_234 : vector<1x512xi32> to vector<128x512xi32>
      %eq3A_244 = arith.cmpi eq, %iota3A_238, %eq3A_243 : vector<128x512xi32>
      %convert_element_type3A_245 = arith.extui %eq3A_244 : vector<128x512xi1> to vector<128x512xi32>
      %convert_element_type3A_246 = arith.sitofp %convert_element_type3A_245 : vector<128x512xi32> to vector<128x512xf32>
      %concatenate3A_247 = tpu.concatenate %convert_element_type3A_242, %convert_element_type3A_246 in 0 : vector<128x512xf32>, vector<128x512xf32> -> vector<256x512xf32>
      %convert_element_type3A_248 = arith.truncf %concatenate3A_247 : vector<256x512xf32> to vector<256x512xbf16>
      %swap3A_249 = arith.constant 0 : index
      %swap3A_250 = arith.constant 0 : index
      %swap3A_251 = vector.load %arg33[%swap3A_249, %swap3A_250] : memref<256x512xbf16, #tpu.memory_space<vmem>>, vector<256x512xbf16>
      tpu.vector_store %arg33[%swap3A_249, %swap3A_250], %convert_element_type3A_248 {strides = array<i32>} : memref<256x512xbf16, #tpu.memory_space<vmem>>, vector<256x512xbf16>,
      %reduce_sum3A = arith.constant dense<0.000000e+00> : vector<128xf32>
      %reduce_sum3A_252 = vector.multi_reduction <add>, %convert_element_type3A_242, %reduce_sum3A [1] : vector<128x512xf32> to vector<128xf32>
      %broadcast_in_dim3A_253 = vector.shape_cast %reduce_sum3A_252 : vector<128xf32> to vector<128x1xf32>
      %reduce_sum3A_254 = arith.constant dense<0.000000e+00> : vector<128xf32>
      %reduce_sum3A_255 = vector.multi_reduction <add>, %convert_element_type3A_246, %reduce_sum3A_254 [1] : vector<128x512xf32> to vector<128xf32>
      %broadcast_in_dim3A_256 = vector.shape_cast %reduce_sum3A_255 : vector<128xf32> to vector<128x1xf32>
      %get3A_257 = arith.constant 0 : index
      %get3A_258 = arith.constant 0 : index
      %get3A_259 = vector.load %arg16[%get3A_257, %get3A_258] : memref<1x64xf32, #tpu.memory_space<vmem>>, vector<1x64xf32>
      %mul3A_260 = vector.broadcast %broadcast_in_dim3A_253 : vector<128x1xf32> to vector<128x64xf32>
      %mul3A_261 = vector.broadcast %get3A_259 : vector<1x64xf32> to vector<128x64xf32>
      %mul3A_262 = arith.mulf %mul3A_260, %mul3A_261 : vector<128x64xf32>
      %get3A_263 = arith.constant 0 : index
      %get3A_264 = arith.constant 0 : index
      %get3A_265 = vector.load %arg20[%get3A_263, %get3A_264] : memref<1x64xf32, #tpu.memory_space<vmem>>, vector<1x64xf32>
      %mul3A_266 = vector.broadcast %broadcast_in_dim3A_256 : vector<128x1xf32> to vector<128x64xf32>
      %mul3A_267 = vector.broadcast %get3A_265 : vector<1x64xf32> to vector<128x64xf32>
      %mul3A_268 = arith.mulf %mul3A_266, %mul3A_267 : vector<128x64xf32>
      %add3A_269 = arith.addf %mul3A_262, %mul3A_268 : vector<128x64xf32>
      %get3A_270 = arith.constant 0 : index
      %get3A_271 = arith.constant 0 : index
      %get3A_272 = vector.load %arg12[%get3A_270, %get3A_271] : memref<1x64xf32, #tpu.memory_space<vmem>>, vector<1x64xf32>
      %add3A_273 = vector.broadcast %get3A_272 : vector<1x64xf32> to vector<128x64xf32>
      %add3A_274 = arith.addf %add3A_269, %add3A_273 : vector<128x64xf32>
      %broadcast_in_dim3A_275 = vector.shape_cast %add3A_274 : vector<128x64xf32> to vector<128x1x64xf32>
      %broadcast_in_dim3A_276 = vector.shape_cast %broadcast_in_dim3A_275 : vector<128x1x64xf32> to vector<128x1x64xf32>
      %broadcast_in_dim3A_277 = vector.broadcast %broadcast_in_dim3A_276 : vector<128x1x64xf32> to vector<128x32x64xf32>
      %reshape3A_278 = vector.shape_cast %broadcast_in_dim3A_277 : vector<128x32x64xf32> to vector<4096x64xf32>
      %swap3A_279 = arith.constant 0 : index
      %swap3A_280 = arith.constant 0 : index
      %swap3A_281 = vector.load %arg34[%swap3A_279, %swap3A_280] : memref<4096x64xf32, #tpu.memory_space<vmem>>, vector<4096x64xf32>
      tpu.vector_store %arg34[%swap3A_279, %swap3A_280], %reshape3A_278 {strides = array<i32>} : memref<4096x64xf32, #tpu.memory_space<vmem>>, vector<4096x64xf32>,
      %get3A_282 = arith.constant 0 : index
      %get3A_283 = arith.constant 0 : index
      %get3A_284 = vector.load %arg5[%get3A_282, %get3A_283] : memref<128x64xf32, #tpu.memory_space<vmem>>, vector<128x64xf32>
      %get3A_285 = arith.constant 0 : index
      %get3A_286 = arith.constant 0 : index
      %get3A_287 = vector.load %arg6[%get3A_285, %get3A_286] : memref<256x64xf32, #tpu.memory_space<vmem>>, vector<128x64xf32>
      %get3A_288 = arith.constant 128 : index
      %get3A_289 = arith.constant 0 : index
      %get3A_290 = vector.load %arg6[%get3A_288, %get3A_289] : memref<256x64xf32, #tpu.memory_space<vmem>>, vector<128x64xf32>
      %broadcast_in_dim3A_291 = vector.shape_cast %get3A_284 : vector<128x64xf32> to vector<128x1x64xf32>
      %broadcast_in_dim3A_292 = vector.shape_cast %broadcast_in_dim3A_291 : vector<128x1x64xf32> to vector<128x1x64xf32>
      %broadcast_in_dim3A_293 = vector.broadcast %broadcast_in_dim3A_292 : vector<128x1x64xf32> to vector<128x32x64xf32>
      %reshape3A_294 = vector.shape_cast %broadcast_in_dim3A_293 : vector<128x32x64xf32> to vector<4096x64xf32>
      %convert_element_type3A_295 = arith.truncf %reshape3A_294 : vector<4096x64xf32> to vector<4096x64xbf16>
      %swap3A_296 = arith.constant 0 : index
      %swap3A_297 = arith.constant 0 : index
      %swap3A_298 = vector.load %arg35[%swap3A_296, %swap3A_297] : memref<4096x64xbf16, #tpu.memory_space<vmem>>, vector<4096x64xbf16>
      tpu.vector_store %arg35[%swap3A_296, %swap3A_297], %convert_element_type3A_295 {strides = array<i32>} : memref<4096x64xbf16, #tpu.memory_space<vmem>>, vector<4096x64xbf16>,
      %sub3A_299 = arith.subf %get3A_287, %get3A_284 : vector<128x64xf32>
      %broadcast_in_dim3A_300 = vector.shape_cast %sub3A_299 : vector<128x64xf32> to vector<128x1x64xf32>
      %broadcast_in_dim3A_301 = vector.shape_cast %broadcast_in_dim3A_300 : vector<128x1x64xf32> to vector<128x1x64xf32>
      %broadcast_in_dim3A_302 = vector.broadcast %broadcast_in_dim3A_301 : vector<128x1x64xf32> to vector<128x32x64xf32>
      %reshape3A_303 = vector.shape_cast %broadcast_in_dim3A_302 : vector<128x32x64xf32> to vector<4096x64xf32>
      %convert_element_type3A_304 = arith.truncf %reshape3A_303 : vector<4096x64xf32> to vector<4096x64xbf16>
      %swap3A_305 = arith.constant 0 : index
      %swap3A_306 = arith.constant 0 : index
      %swap3A_307 = vector.load %arg36[%swap3A_305, %swap3A_306] : memref<4096x64xbf16, #tpu.memory_space<vmem>>, vector<4096x64xbf16>
      tpu.vector_store %arg36[%swap3A_305, %swap3A_306], %convert_element_type3A_304 {strides = array<i32>} : memref<4096x64xbf16, #tpu.memory_space<vmem>>, vector<4096x64xbf16>,
      %sub3A_308 = arith.subf %get3A_290, %get3A_287 : vector<128x64xf32>
      %broadcast_in_dim3A_309 = vector.shape_cast %sub3A_308 : vector<128x64xf32> to vector<128x1x64xf32>
      %broadcast_in_dim3A_310 = vector.shape_cast %broadcast_in_dim3A_309 : vector<128x1x64xf32> to vector<128x1x64xf32>
      %broadcast_in_dim3A_311 = vector.broadcast %broadcast_in_dim3A_310 : vector<128x1x64xf32> to vector<128x32x64xf32>
      %reshape3A_312 = vector.shape_cast %broadcast_in_dim3A_311 : vector<128x32x64xf32> to vector<4096x64xf32>
      %convert_element_type3A_313 = arith.truncf %reshape3A_312 : vector<4096x64xf32> to vector<4096x64xbf16>
      %swap3A_314 = arith.constant 0 : index
      %swap3A_315 = arith.constant 0 : index
      %swap3A_316 = vector.load %arg37[%swap3A_314, %swap3A_315] : memref<4096x64xbf16, #tpu.memory_space<vmem>>, vector<4096x64xbf16>
      tpu.vector_store %arg37[%swap3A_314, %swap3A_315], %convert_element_type3A_313 {strides = array<i32>} : memref<4096x64xbf16, #tpu.memory_space<vmem>>, vector<4096x64xbf16>,
      %get3A_317 = arith.constant 0 : index
      %get3A_318 = arith.constant 0 : index
      %get3A_319 = vector.load %arg8[%get3A_317, %get3A_318] : memref<128x1xf32, #tpu.memory_space<vmem>>, vector<128x1xf32>
      %broadcast_in_dim3A_320 = vector.shape_cast %get3A_319 : vector<128x1xf32> to vector<128x1x1xf32>
      %broadcast_in_dim3A_321 = vector.shape_cast %broadcast_in_dim3A_320 : vector<128x1x1xf32> to vector<128x1x1xf32>
      %broadcast_in_dim3A_322 = vector.broadcast %broadcast_in_dim3A_321 : vector<128x1x1xf32> to vector<128x32x1xf32>
      %reshape3A_323 = vector.shape_cast %broadcast_in_dim3A_322 : vector<128x32x1xf32> to vector<4096x1xf32>
      %get3A_324 = arith.constant 0 : index
      %get3A_325 = arith.constant 0 : index
      %get3A_326 = vector.load %arg28[%get3A_324, %get3A_325] : memref<1x64xf32, #tpu.memory_space<vmem>>, vector<1x64xf32>
      %get3A_327 = arith.constant 0 : index
      %get3A_328 = arith.constant 0 : index
      %get3A_329 = vector.load %arg29[%get3A_327, %get3A_328] : memref<64x1xf32, #tpu.memory_space<vmem>>, vector<64x1xf32>
      %dot_general3A_330 = arith.constant dense<0.000000e+00> : vector<1x1xf32>
      %dot_general3A_331 = tpu.matmul %get3A_326, %get3A_329, %dot_general3A_330 {dimension_numbers = #tpu.dot_dimension_numbers<[1], [0], [0], [1], [0, 0, 1, 1], [], []>, transpose_lhs_hint = false} : vector<1x64xf32>, vector<64x1xf32>, vector<1x1xf32> -> vector<1x1xf32>
      %add3A_332 = vector.broadcast %dot_general3A_331 : vector<1x1xf32> to vector<4096x1xf32>
      %add3A_333 = arith.addf %reshape3A_323, %add3A_332 : vector<4096x1xf32>
      %swap3A_334 = arith.constant 0 : index
      %swap3A_335 = arith.constant 0 : index
      %swap3A_336 = vector.load %arg38[%swap3A_334, %swap3A_335] : memref<4096x1xf32, #tpu.memory_space<vmem>>, vector<4096x1xf32>
      tpu.vector_store %arg38[%swap3A_334, %swap3A_335], %add3A_333 {strides = array<i32>} : memref<4096x1xf32, #tpu.memory_space<vmem>>, vector<4096x1xf32>,
      %get3A_337 = arith.constant 0 : index
      %get3A_338 = arith.constant 0 : index
      %get3A_339 = vector.load %arg13[%get3A_337, %get3A_338] : memref<256x64xf32, #tpu.memory_space<vmem>>, vector<256x64xf32>
      %get3A_340 = arith.constant 0 : index
      %get3A_341 = arith.constant 0 : index
      %get3A_342 = vector.load %arg17[%get3A_340, %get3A_341] : memref<256x64xf32, #tpu.memory_space<vmem>>, vector<256x64xf32>
      %slice3A_343 = vector.extract_strided_slice %get3A_339 {offsets = [0, 0], sizes = [128, 64], strides = [1, 1]} : vector<256x64xf32> to vector<128x64xf32>
      %slice3A_344 = vector.extract_strided_slice %get3A_342 {offsets = [128, 0], sizes = [128, 64], strides = [1, 1]} : vector<256x64xf32> to vector<128x64xf32>
      %concatenate3A_345 = tpu.concatenate %slice3A_343, %slice3A_344 in 1 : vector<128x64xf32>, vector<128x64xf32> -> vector<128x128xf32>
      %slice3A_346 = vector.extract_strided_slice %get3A_339 {offsets = [128, 0], sizes = [128, 64], strides = [1, 1]} : vector<256x64xf32> to vector<128x64xf32>
      %slice3A_347 = vector.extract_strided_slice %get3A_342 {offsets = [0, 0], sizes = [128, 64], strides = [1, 1]} : vector<256x64xf32> to vector<128x64xf32>
      %concatenate3A_348 = tpu.concatenate %slice3A_346, %slice3A_347 in 1 : vector<128x64xf32>, vector<128x64xf32> -> vector<128x128xf32>
      %get3A_349 = arith.constant 0 : index
      %get3A_350 = arith.constant 0 : index
      %get3A_351 = vector.load %arg9[%get3A_349, %get3A_350] : memref<128x64xf32, #tpu.memory_space<vmem>>, vector<128x64xf32>
      %concatenate3A_352 = tpu.concatenate %concatenate3A_345, %concatenate3A_348, %get3A_351 in 1 : vector<128x128xf32>, vector<128x128xf32>, vector<128x64xf32> -> vector<128x320xf32>
      %convert_element_type3A_353 = arith.truncf %concatenate3A_352 : vector<128x320xf32> to vector<128x320xbf16>
      %swap3A_354 = arith.constant 0 : index
      %swap3A_355 = arith.constant 0 : index
      %swap3A_356 = vector.load %arg39[%swap3A_354, %swap3A_355] : memref<128x320xbf16, #tpu.memory_space<vmem>>, vector<128x320xbf16>
      tpu.vector_store %arg39[%swap3A_354, %swap3A_355], %convert_element_type3A_353 {strides = array<i32>} : memref<128x320xbf16, #tpu.memory_space<vmem>>, vector<128x320xbf16>,
      %get3A_357 = arith.constant 0 : index
      %get3A_358 = arith.constant 0 : index
      %get3A_359 = vector.load %arg14[%get3A_357, %get3A_358] : memref<1x64xf32, #tpu.memory_space<vmem>>, vector<1x64xf32>
      %get3A_360 = arith.constant 0 : index
      %get3A_361 = arith.constant 0 : index
      %get3A_362 = vector.load %arg18[%get3A_360, %get3A_361] : memref<1x64xf32, #tpu.memory_space<vmem>>, vector<1x64xf32>
      %broadcast_in_dim3A_363 = arith.constant 0.000000e+00 : f32
      %broadcast_in_dim3A_364 = vector.broadcast %broadcast_in_dim3A_363 : f32 to vector<1x128xf32>
      %get3A_365 = arith.constant 0 : index
      %get3A_366 = arith.constant 0 : index
      %get3A_367 = vector.load %arg10[%get3A_365, %get3A_366] : memref<1x64xf32, #tpu.memory_space<vmem>>, vector<1x64xf32>
      %concatenate3A_368 = tpu.concatenate %get3A_359, %get3A_362, %broadcast_in_dim3A_364, %get3A_367 in 1 : vector<1x64xf32>, vector<1x64xf32>, vector<1x128xf32>, vector<1x64xf32> -> vector<1x320xf32>
      %swap3A_369 = arith.constant 0 : index
      %swap3A_370 = arith.constant 0 : index
      %swap3A_371 = vector.load %arg40[%swap3A_369, %swap3A_370] : memref<1x320xf32, #tpu.memory_space<vmem>>, vector<1x320xf32>
      tpu.vector_store %arg40[%swap3A_369, %swap3A_370], %concatenate3A_368 {strides = array<i32>} : memref<1x320xf32, #tpu.memory_space<vmem>>, vector<1x320xf32>,
      %get3A_372 = arith.constant 0 : index
      %get3A_373 = arith.constant 0 : index
      %get3A_374 = vector.load %arg11[%get3A_372, %get3A_373] : memref<64x64xf32, #tpu.memory_space<vmem>>, vector<64x64xf32>
      %convert_element_type3A_375 = arith.truncf %get3A_374 : vector<64x64xf32> to vector<64x64xbf16>
      %swap3A_376 = arith.constant 0 : index
      %swap3A_377 = arith.constant 0 : index
      %swap3A_378 = vector.load %arg41[%swap3A_376, %swap3A_377] : memref<64x64xbf16, #tpu.memory_space<vmem>>, vector<64x64xbf16>
      tpu.vector_store %arg41[%swap3A_376, %swap3A_377], %convert_element_type3A_375 {strides = array<i32>} : memref<64x64xbf16, #tpu.memory_space<vmem>>, vector<64x64xbf16>,
      %get3A_379 = arith.constant 0 : index
      %get3A_380 = arith.constant 0 : index
      %get3A_381 = vector.load %arg15[%get3A_379, %get3A_380] : memref<64x64xf32, #tpu.memory_space<vmem>>, vector<64x64xf32>
      %get3A_382 = arith.constant 0 : index
      %get3A_383 = arith.constant 0 : index
      %get3A_384 = vector.load %arg19[%get3A_382, %get3A_383] : memref<64x64xf32, #tpu.memory_space<vmem>>, vector<64x64xf32>
      %concatenate3A_385 = tpu.concatenate %get3A_381, %get3A_384 in 0 : vector<64x64xf32>, vector<64x64xf32> -> vector<128x64xf32>
      %convert_element_type3A_386 = arith.truncf %concatenate3A_385 : vector<128x64xf32> to vector<128x64xbf16>
      %swap3A_387 = arith.constant 0 : index
      %swap3A_388 = arith.constant 0 : index
      %swap3A_389 = vector.load %arg42[%swap3A_387, %swap3A_388] : memref<128x64xbf16, #tpu.memory_space<vmem>>, vector<128x64xbf16>
      tpu.vector_store %arg42[%swap3A_387, %swap3A_388], %convert_element_type3A_386 {strides = array<i32>} : memref<128x64xbf16, #tpu.memory_space<vmem>>, vector<128x64xbf16>,
      %get3A_390 = arith.constant 0 : index
      %get3A_391 = arith.constant 0 : index
      %get3A_392 = vector.load %arg21[%get3A_390, %get3A_391] : memref<128x192xf32, #tpu.memory_space<vmem>>, vector<128x192xf32>
      %get3A_393 = arith.constant 0 : index
      %get3A_394 = arith.constant 0 : index
      %get3A_395 = vector.load %arg23[%get3A_393, %get3A_394] : memref<64x192xf32, #tpu.memory_space<vmem>>, vector<64x192xf32>
      %slice3A_396 = vector.extract_strided_slice %get3A_392 {offsets = [0, 0], sizes = [128, 128], strides = [1, 1]} : vector<128x192xf32> to vector<128x128xf32>
      %slice3A_397 = vector.extract_strided_slice %get3A_395 {offsets = [0, 0], sizes = [64, 128], strides = [1, 1]} : vector<64x192xf32> to vector<64x128xf32>
      %broadcast_in_dim3A_398 = arith.constant 0.000000e+00 : f32
      %broadcast_in_dim3A_399 = vector.broadcast %broadcast_in_dim3A_398 : f32 to vector<64x128xf32>
      %concatenate3A_400 = tpu.concatenate %slice3A_397, %broadcast_in_dim3A_399 in 0 : vector<64x128xf32>, vector<64x128xf32> -> vector<128x128xf32>
      %add3A_401 = arith.addf %slice3A_396, %concatenate3A_400 : vector<128x128xf32>
      %convert_element_type3A_402 = arith.truncf %add3A_401 : vector<128x128xf32> to vector<128x128xbf16>
      %swap3A_403 = arith.constant 0 : index
      %swap3A_404 = arith.constant 0 : index
      %swap3A_405 = vector.load %arg43[%swap3A_403, %swap3A_404] : memref<128x128xbf16, #tpu.memory_space<vmem>>, vector<128x128xbf16>
      tpu.vector_store %arg43[%swap3A_403, %swap3A_404], %convert_element_type3A_402 {strides = array<i32>} : memref<128x128xbf16, #tpu.memory_space<vmem>>, vector<128x128xbf16>,
      %get3A_406 = arith.constant 0 : index
      %get3A_407 = arith.constant 0 : index
      %get3A_408 = vector.load %arg22[%get3A_406, %get3A_407] : memref<1x192xf32, #tpu.memory_space<vmem>>, vector<1x192xf32>
      %slice3A_409 = vector.extract_strided_slice %get3A_408 {offsets = [0, 0], sizes = [1, 128], strides = [1, 1]} : vector<1x192xf32> to vector<1x128xf32>
      %get3A_410 = arith.constant 0 : index
      %get3A_411 = arith.constant 0 : index
      %get3A_412 = vector.load %arg24[%get3A_410, %get3A_411] : memref<1x192xf32, #tpu.memory_space<vmem>>, vector<1x192xf32>
      %slice3A_413 = vector.extract_strided_slice %get3A_412 {offsets = [0, 0], sizes = [1, 128], strides = [1, 1]} : vector<1x192xf32> to vector<1x128xf32>
      %add3A_414 = arith.addf %slice3A_409, %slice3A_413 : vector<1x128xf32>
      %swap3A_415 = arith.constant 0 : index
      %swap3A_416 = arith.constant 0 : index
      %swap3A_417 = vector.load %arg44[%swap3A_415, %swap3A_416] : memref<1x128xf32, #tpu.memory_space<vmem>>, vector<1x128xf32>
      tpu.vector_store %arg44[%swap3A_415, %swap3A_416], %add3A_414 {strides = array<i32>} : memref<1x128xf32, #tpu.memory_space<vmem>>, vector<1x128xf32>,
      %slice3A_418 = vector.extract_strided_slice %get3A_392 {offsets = [0, 128], sizes = [128, 64], strides = [1, 1]} : vector<128x192xf32> to vector<128x64xf32>
      %convert_element_type3A_419 = arith.truncf %slice3A_418 : vector<128x64xf32> to vector<128x64xbf16>
      %swap3A_420 = arith.constant 0 : index
      %swap3A_421 = arith.constant 0 : index
      %swap3A_422 = vector.load %arg45[%swap3A_420, %swap3A_421] : memref<128x64xbf16, #tpu.memory_space<vmem>>, vector<128x64xbf16>
      tpu.vector_store %arg45[%swap3A_420, %swap3A_421], %convert_element_type3A_419 {strides = array<i32>} : memref<128x64xbf16, #tpu.memory_space<vmem>>, vector<128x64xbf16>,
      %slice3A_423 = vector.extract_strided_slice %get3A_395 {offsets = [0, 128], sizes = [64, 64], strides = [1, 1]} : vector<64x192xf32> to vector<64x64xf32>
      %convert_element_type3A_424 = arith.truncf %slice3A_423 : vector<64x64xf32> to vector<64x64xbf16>
      %swap3A_425 = arith.constant 0 : index
      %swap3A_426 = arith.constant 0 : index
      %swap3A_427 = vector.load %arg46[%swap3A_425, %swap3A_426] : memref<64x64xbf16, #tpu.memory_space<vmem>>, vector<64x64xbf16>
      tpu.vector_store %arg46[%swap3A_425, %swap3A_426], %convert_element_type3A_424 {strides = array<i32>} : memref<64x64xbf16, #tpu.memory_space<vmem>>, vector<64x64xbf16>,
      %get3A_428 = arith.constant 0 : index
      %get3A_429 = arith.constant 0 : index
      %get3A_430 = vector.load %arg25[%get3A_428, %get3A_429] : memref<128x64xf32, #tpu.memory_space<vmem>>, vector<128x64xf32>
      %slice3A_431 = vector.extract_strided_slice %get3A_430 {offsets = [0, 0], sizes = [64, 64], strides = [1, 1]} : vector<128x64xf32> to vector<64x64xf32>
      %convert_element_type3A_432 = arith.truncf %slice3A_431 : vector<64x64xf32> to vector<64x64xbf16>
      %swap3A_433 = arith.constant 0 : index
      %swap3A_434 = arith.constant 0 : index
      %swap3A_435 = vector.load %arg47[%swap3A_433, %swap3A_434] : memref<64x64xbf16, #tpu.memory_space<vmem>>, vector<64x64xbf16>
      tpu.vector_store %arg47[%swap3A_433, %swap3A_434], %convert_element_type3A_432 {strides = array<i32>} : memref<64x64xbf16, #tpu.memory_space<vmem>>, vector<64x64xbf16>,
      %slice3A_436 = vector.extract_strided_slice %get3A_430 {offsets = [64, 0], sizes = [64, 64], strides = [1, 1]} : vector<128x64xf32> to vector<64x64xf32>
      %dot_general3A_437 = arith.constant dense<0.000000e+00> : vector<4096x64xf32>
      %dot_general3A_438 = tpu.matmul %reshape3A_294, %slice3A_436, %dot_general3A_437 {dimension_numbers = #tpu.dot_dimension_numbers<[1], [0], [0], [1], [0, 0, 1, 1], [], []>, transpose_lhs_hint = false} : vector<4096x64xf32>, vector<64x64xf32>, vector<4096x64xf32> -> vector<4096x64xf32>
      %get3A_439 = arith.constant 0 : index
      %get3A_440 = arith.constant 0 : index
      %get3A_441 = vector.load %arg26[%get3A_439, %get3A_440] : memref<1x64xf32, #tpu.memory_space<vmem>>, vector<1x64xf32>
      %add3A_442 = vector.broadcast %get3A_441 : vector<1x64xf32> to vector<4096x64xf32>
      %add3A_443 = arith.addf %dot_general3A_438, %add3A_442 : vector<4096x64xf32>
      %convert_element_type3A_444 = arith.truncf %add3A_443 : vector<4096x64xf32> to vector<4096x64xbf16>
      %swap3A_445 = arith.constant 0 : index
      %swap3A_446 = arith.constant 0 : index
      %swap3A_447 = vector.load %arg48[%swap3A_445, %swap3A_446] : memref<4096x64xbf16, #tpu.memory_space<vmem>>, vector<4096x64xbf16>
      tpu.vector_store %arg48[%swap3A_445, %swap3A_446], %convert_element_type3A_444 {strides = array<i32>} : memref<4096x64xbf16, #tpu.memory_space<vmem>>, vector<4096x64xbf16>,
      %get3A_448 = arith.constant 0 : index
      %get3A_449 = arith.constant 0 : index
      %get3A_450 = vector.load %arg27[%get3A_448, %get3A_449] : memref<64x64xf32, #tpu.memory_space<vmem>>, vector<64x64xf32>
      %get3A_451 = arith.constant 0 : index
      %get3A_452 = arith.constant 0 : index
      %get3A_453 = vector.load %arg29[%get3A_451, %get3A_452] : memref<64x1xf32, #tpu.memory_space<vmem>>, vector<64x1xf32>
      %dot_general3A_454 = arith.constant dense<0.000000e+00> : vector<64x1xf32>
      %dot_general3A_455 = tpu.matmul %get3A_450, %get3A_453, %dot_general3A_454 {dimension_numbers = #tpu.dot_dimension_numbers<[1], [0], [0], [1], [0, 0, 1, 1], [], []>, transpose_lhs_hint = false} : vector<64x64xf32>, vector<64x1xf32>, vector<64x1xf32> -> vector<64x1xf32>
      %convert_element_type3A_456 = arith.truncf %dot_general3A_455 : vector<64x1xf32> to vector<64x1xbf16>
      %swap3A_457 = arith.constant 0 : index
      %swap3A_458 = arith.constant 0 : index
      %swap3A_459 = vector.load %arg49[%swap3A_457, %swap3A_458] : memref<64x1xbf16, #tpu.memory_space<vmem>>, vector<64x1xbf16>
      tpu.vector_store %arg49[%swap3A_457, %swap3A_458], %convert_element_type3A_456 {strides = array<i32>} : memref<64x1xbf16, #tpu.memory_space<vmem>>, vector<64x1xbf16>,
    } else {
    }
    %get3A = arith.constant 0 : index
    %get3A_2 = arith.constant 0 : index
    %get3A_3 = vector.load %arg31[%get3A, %get3A_2] : memref<4096x64xf32, #tpu.memory_space<vmem>>, vector<4096x64xf32>
    %convert_element_type3A_4 = arith.truncf %get3A_3 : vector<4096x64xf32> to vector<4096x64xbf16>
    %get3A_5 = arith.constant 0 : index
    %get3A_6 = arith.constant 0 : index
    %get3A_7 = arith.constant 0 : index
    %get3A_8 = vector.load %arg1[%get3A_5, %get3A_6, %get3A_7] : memref<1x128x32xf32, #tpu.memory_space<vmem>>, vector<1x128x32xf32>
    %get3A_9 = vector.shape_cast %get3A_8 : vector<1x128x32xf32> to vector<128x32xf32>
    %broadcast_in_dim3A = vector.shape_cast %get3A_9 : vector<128x32xf32> to vector<128x32x1xf32>
    %broadcast_in_dim3A_10 = vector.shape_cast %broadcast_in_dim3A : vector<128x32x1xf32> to vector<128x32x1xf32>
    %broadcast_in_dim3A_11 = vector.broadcast %broadcast_in_dim3A_10 : vector<128x32x1xf32> to vector<128x32x64xf32>
    %reshape3A = vector.shape_cast %broadcast_in_dim3A_11 : vector<128x32x64xf32> to vector<4096x64xf32>
    %convert_element_type3A_12 = arith.truncf %reshape3A : vector<4096x64xf32> to vector<4096x64xbf16>
    %get3A_13 = arith.constant 0 : index
    %get3A_14 = arith.constant 0 : index
    %get3A_15 = arith.constant 0 : index
    %get3A_16 = vector.load %arg2[%get3A_13, %get3A_14, %get3A_15] : memref<1x1x32xf32, #tpu.memory_space<vmem>>, vector<1x1x32xf32>
    %get3A_17 = vector.shape_cast %get3A_16 : vector<1x1x32xf32> to vector<1x32xf32>
    %broadcast_in_dim3A_18 = vector.shape_cast %get3A_17 : vector<1x32xf32> to vector<1x32x1xf32>
    %broadcast_in_dim3A_19 = vector.shape_cast %broadcast_in_dim3A_18 : vector<1x32x1xf32> to vector<1x32x1xf32>
    %broadcast_in_dim3A_20 = vector.broadcast %broadcast_in_dim3A_19 : vector<1x32x1xf32> to vector<128x32x64xf32>
    %reshape3A_21 = vector.shape_cast %broadcast_in_dim3A_20 : vector<128x32x64xf32> to vector<4096x64xf32>
    %convert_element_type3A_22 = arith.truncf %reshape3A_21 : vector<4096x64xf32> to vector<4096x64xbf16>
    %get3A_23 = arith.constant 0 : index
    %get3A_24 = arith.constant 0 : index
    %get3A_25 = vector.load %arg35[%get3A_23, %get3A_24] : memref<4096x64xbf16, #tpu.memory_space<vmem>>, vector<4096x64xbf16>
    %get3A_26 = arith.constant 0 : index
    %get3A_27 = arith.constant 0 : index
    %get3A_28 = vector.load %arg36[%get3A_26, %get3A_27] : memref<4096x64xbf16, #tpu.memory_space<vmem>>, vector<4096x64xbf16>
    %get3A_29 = arith.constant 0 : index
    %get3A_30 = arith.constant 0 : index
    %get3A_31 = vector.load %arg37[%get3A_29, %get3A_30] : memref<4096x64xbf16, #tpu.memory_space<vmem>>, vector<4096x64xbf16>
    %mul3A = arith.mulf %convert_element_type3A_22, %get3A_31 : vector<4096x64xbf16>
    %add3A = arith.addf %get3A_28, %mul3A : vector<4096x64xbf16>
    %mul3A_32 = arith.mulf %convert_element_type3A_12, %add3A : vector<4096x64xbf16>
    %add3A_33 = arith.addf %get3A_25, %mul3A_32 : vector<4096x64xbf16>
    %concatenate3A = tpu.concatenate %convert_element_type3A_4, %add3A_33 in 1 : vector<4096x64xbf16>, vector<4096x64xbf16> -> vector<4096x128xbf16>
    %get3A_34 = arith.constant 0 : index
    %get3A_35 = arith.constant 0 : index
    %get3A_36 = vector.load %arg39[%get3A_34, %get3A_35] : memref<128x320xbf16, #tpu.memory_space<vmem>>, vector<128x320xbf16>
    %dot_general3A = arith.constant dense<0.000000e+00> : vector<4096x320xf32>
    %dot_general3A_37 = tpu.matmul %concatenate3A, %get3A_36, %dot_general3A {dimension_numbers = #tpu.dot_dimension_numbers<[1], [0], [0], [1], [0, 0, 1, 1], [], []>, transpose_lhs_hint = false} : vector<4096x128xbf16>, vector<128x320xbf16>, vector<4096x320xf32> -> vector<4096x320xf32>
    %get3A_38 = arith.constant 0 : index
    %get3A_39 = arith.constant 0 : index
    %get3A_40 = vector.load %arg40[%get3A_38, %get3A_39] : memref<1x320xf32, #tpu.memory_space<vmem>>, vector<1x320xf32>
    %add3A_41 = vector.broadcast %get3A_40 : vector<1x320xf32> to vector<4096x320xf32>
    %add3A_42 = arith.addf %dot_general3A_37, %add3A_41 : vector<4096x320xf32>
    %slice3A = vector.extract_strided_slice %add3A_42 {offsets = [0, 256], sizes = [4096, 64], strides = [1, 1]} : vector<4096x320xf32> to vector<4096x64xf32>
    %max3A = arith.constant 0.000000e+00 : f32
    %max3A_43 = vector.broadcast %max3A : f32 to vector<4096x64xf32>
    %max3A_44 = arith.maximumf %slice3A, %max3A_43 : vector<4096x64xf32>
    %convert_element_type3A_45 = arith.truncf %max3A_44 : vector<4096x64xf32> to vector<4096x64xbf16>
    %get3A_46 = arith.constant 0 : index
    %get3A_47 = arith.constant 0 : index
    %get3A_48 = vector.load %arg41[%get3A_46, %get3A_47] : memref<64x64xbf16, #tpu.memory_space<vmem>>, vector<64x64xbf16>
    %dot_general3A_49 = arith.constant dense<0.000000e+00> : vector<4096x64xf32>
    %dot_general3A_50 = tpu.matmul %convert_element_type3A_45, %get3A_48, %dot_general3A_49 {dimension_numbers = #tpu.dot_dimension_numbers<[1], [0], [0], [1], [0, 0, 1, 1], [], []>, transpose_lhs_hint = false} : vector<4096x64xbf16>, vector<64x64xbf16>, vector<4096x64xf32> -> vector<4096x64xf32>
    %slice3A_51 = vector.extract_strided_slice %add3A_42 {offsets = [0, 0], sizes = [4096, 128], strides = [1, 1]} : vector<4096x320xf32> to vector<4096x128xf32>
    %convert_element_type3A_52 = arith.truncf %slice3A_51 : vector<4096x128xf32> to vector<4096x128xbf16>
    %slice3A_53 = vector.extract_strided_slice %add3A_42 {offsets = [0, 128], sizes = [4096, 128], strides = [1, 1]} : vector<4096x320xf32> to vector<4096x128xf32>
    %convert_element_type3A_54 = arith.truncf %slice3A_53 : vector<4096x128xf32> to vector<4096x128xbf16>
    %reshape3A_55 = vector.shape_cast %convert_element_type3A_52 : vector<4096x128xbf16> to vector<128x4096xbf16>
    %reshape3A_56 = vector.shape_cast %convert_element_type3A_54 : vector<4096x128xbf16> to vector<128x4096xbf16>
    %concatenate3A_57 = tpu.concatenate %reshape3A_55, %reshape3A_56 in 0 : vector<128x4096xbf16>, vector<128x4096xbf16> -> vector<256x4096xbf16>
    %get3A_58 = arith.constant 0 : index
    %get3A_59 = arith.constant 0 : index
    %get3A_60 = vector.load %arg32[%get3A_58, %get3A_59] : memref<512x256xbf16, #tpu.memory_space<vmem>>, vector<512x256xbf16>
    %dot_general3A_61 = arith.constant dense<0.000000e+00> : vector<512x4096xf32>
    %dot_general3A_62 = tpu.matmul %get3A_60, %concatenate3A_57, %dot_general3A_61 {dimension_numbers = #tpu.dot_dimension_numbers<[1], [0], [0], [1], [0, 0, 1, 1], [], []>, transpose_lhs_hint = false} : vector<512x256xbf16>, vector<256x4096xbf16>, vector<512x4096xf32> -> vector<512x4096xf32>
    %max3A_63 = arith.constant 0.000000e+00 : f32
    %max3A_64 = vector.broadcast %max3A_63 : f32 to vector<512x4096xf32>
    %max3A_65 = arith.maximumf %dot_general3A_62, %max3A_64 : vector<512x4096xf32>
    %convert_element_type3A_66 = arith.truncf %max3A_65 : vector<512x4096xf32> to vector<512x4096xbf16>
    %get3A_67 = arith.constant 0 : index
    %get3A_68 = arith.constant 0 : index
    %get3A_69 = vector.load %arg33[%get3A_67, %get3A_68] : memref<256x512xbf16, #tpu.memory_space<vmem>>, vector<256x512xbf16>
    %dot_general3A_70 = arith.constant dense<0.000000e+00> : vector<256x4096xf32>
    %dot_general3A_71 = tpu.matmul %get3A_69, %convert_element_type3A_66, %dot_general3A_70 {dimension_numbers = #tpu.dot_dimension_numbers<[1], [0], [0], [1], [0, 0, 1, 1], [], []>, transpose_lhs_hint = false} : vector<256x512xbf16>, vector<512x4096xbf16>, vector<256x4096xf32> -> vector<256x4096xf32>
    %iota3A = tpu.iota {dimensions = array<i32: 1>} : vector<1x4096xi32>
    %jit3A = arith.constant 128 : i32
    %eq3A_72 = arith.constant 0 : i32
    %eq3A_73 = arith.cmpi eq, %jit3A, %eq3A_72 : i32
    %jit3A_74 = arith.constant 1 : i32
    %select_n3A = arith.select %eq3A_73, %jit3A_74, %jit3A : i32
    %rem3A = vector.broadcast %select_n3A : i32 to vector<1x4096xi32>
    %rem3A_75 = arith.remsi %iota3A, %rem3A : vector<1x4096xi32>
    %ne3A = arith.constant 0 : i32
    %ne3A_76 = vector.broadcast %ne3A : i32 to vector<1x4096xi32>
    %ne3A_77 = arith.cmpi ne, %rem3A_75, %ne3A_76 : vector<1x4096xi32>
    %lt3A = arith.constant 0 : i32
    %lt3A_78 = vector.broadcast %lt3A : i32 to vector<1x4096xi32>
    %lt3A_79 = arith.cmpi slt, %rem3A_75, %lt3A_78 : vector<1x4096xi32>
    %lt3A_80 = arith.constant 0 : i32
    %lt3A_81 = arith.cmpi slt, %select_n3A, %lt3A_80 : i32
    %ne3A_82 = vector.broadcast %lt3A_81 : i1 to vector<1x4096xi1>
    %ne3A_83 = vector.broadcast %ne3A_82 : vector<1x4096xi1> to vector<1x4096xi1>
    %ne3A_84 = arith.xori %lt3A_79, %ne3A_83 : vector<1x4096xi1>
    %and3A = arith.andi %ne3A_84, %ne3A_77 : vector<1x4096xi1>
    %add3A_85 = vector.broadcast %select_n3A : i32 to vector<1x4096xi32>
    %add3A_86 = arith.addi %rem3A_75, %add3A_85 : vector<1x4096xi32>
    %select_n3A_87 = arith.select %and3A, %add3A_86, %rem3A_75 : vector<1x4096xi1>, vector<1x4096xi32>
    %lt3A_88 = arith.constant 64 : i32
    %lt3A_89 = vector.broadcast %lt3A_88 : i32 to vector<1x4096xi32>
    %lt3A_90 = arith.cmpi slt, %select_n3A_87, %lt3A_89 : vector<1x4096xi32>
    %slice3A_91 = vector.extract_strided_slice %dot_general3A_71 {offsets = [0, 0], sizes = [128, 4096], strides = [1, 1]} : vector<256x4096xf32> to vector<128x4096xf32>
    %slice3A_92 = vector.extract_strided_slice %dot_general3A_71 {offsets = [128, 0], sizes = [128, 4096], strides = [1, 1]} : vector<256x4096xf32> to vector<128x4096xf32>
    %broadcast_in_dim3A_93 = vector.shape_cast %lt3A_90 : vector<1x4096xi1> to vector<1x4096xi1>
    %broadcast_in_dim3A_94 = vector.broadcast %broadcast_in_dim3A_93 : vector<1x4096xi1> to vector<128x4096xi1>
    %select_n3A_95 = arith.select %broadcast_in_dim3A_94, %slice3A_91, %slice3A_92 : vector<128x4096xi1>, vector<128x4096xf32>
    %convert_element_type3A_96 = arith.truncf %select_n3A_95 : vector<128x4096xf32> to vector<128x4096xbf16>
    %reshape3A_97 = vector.shape_cast %convert_element_type3A_96 : vector<128x4096xbf16> to vector<4096x128xbf16>
    %get3A_98 = arith.constant 0 : index
    %get3A_99 = arith.constant 0 : index
    %get3A_100 = vector.load %arg42[%get3A_98, %get3A_99] : memref<128x64xbf16, #tpu.memory_space<vmem>>, vector<128x64xbf16>
    %dot_general3A_101 = arith.constant dense<0.000000e+00> : vector<4096x64xf32>
    %dot_general3A_102 = tpu.matmul %reshape3A_97, %get3A_100, %dot_general3A_101 {dimension_numbers = #tpu.dot_dimension_numbers<[1], [0], [0], [1], [0, 0, 1, 1], [], []>, transpose_lhs_hint = false} : vector<4096x128xbf16>, vector<128x64xbf16>, vector<4096x64xf32> -> vector<4096x64xf32>
    %add3A_103 = arith.addf %dot_general3A_50, %dot_general3A_102 : vector<4096x64xf32>
    %get3A_104 = arith.constant 0 : index
    %get3A_105 = arith.constant 0 : index
    %get3A_106 = vector.load %arg34[%get3A_104, %get3A_105] : memref<4096x64xf32, #tpu.memory_space<vmem>>, vector<4096x64xf32>
    %add3A_107 = arith.addf %add3A_103, %get3A_106 : vector<4096x64xf32>
    %convert_element_type3A_108 = arith.truncf %add3A_107 : vector<4096x64xf32> to vector<4096x64xbf16>
    %concatenate3A_109 = tpu.concatenate %convert_element_type3A_4, %convert_element_type3A_108 in 1 : vector<4096x64xbf16>, vector<4096x64xbf16> -> vector<4096x128xbf16>
    %get3A_110 = arith.constant 0 : index
    %get3A_111 = arith.constant 0 : index
    %get3A_112 = vector.load %arg43[%get3A_110, %get3A_111] : memref<128x128xbf16, #tpu.memory_space<vmem>>, vector<128x128xbf16>
    %dot_general3A_113 = arith.constant dense<0.000000e+00> : vector<4096x128xf32>
    %dot_general3A_114 = tpu.matmul %concatenate3A_109, %get3A_112, %dot_general3A_113 {dimension_numbers = #tpu.dot_dimension_numbers<[1], [0], [0], [1], [0, 0, 1, 1], [], []>, transpose_lhs_hint = false} : vector<4096x128xbf16>, vector<128x128xbf16>, vector<4096x128xf32> -> vector<4096x128xf32>
    %get3A_115 = arith.constant 0 : index
    %get3A_116 = arith.constant 0 : index
    %get3A_117 = vector.load %arg44[%get3A_115, %get3A_116] : memref<1x128xf32, #tpu.memory_space<vmem>>, vector<1x128xf32>
    %add3A_118 = vector.broadcast %get3A_117 : vector<1x128xf32> to vector<4096x128xf32>
    %add3A_119 = arith.addf %dot_general3A_114, %add3A_118 : vector<4096x128xf32>
    %slice3A_120 = vector.extract_strided_slice %add3A_119 {offsets = [0, 0], sizes = [4096, 64], strides = [1, 1]} : vector<4096x128xf32> to vector<4096x64xf32>
    %logistic3A = arith.negf %slice3A_120 : vector<4096x64xf32>
    %logistic3A_121 = math.exp %logistic3A : vector<4096x64xf32>
    %logistic3A_122 = arith.constant 1.000000e+00 : f32
    %logistic3A_123 = vector.broadcast %logistic3A_122 : f32 to vector<4096x64xf32>
    %logistic3A_124 = arith.addf %logistic3A_123, %logistic3A_121 : vector<4096x64xf32>
    %logistic3A_125 = arith.divf %logistic3A_123, %logistic3A_124 : vector<4096x64xf32>
    %slice3A_126 = vector.extract_strided_slice %add3A_119 {offsets = [0, 64], sizes = [4096, 64], strides = [1, 1]} : vector<4096x128xf32> to vector<4096x64xf32>
    %logistic3A_127 = arith.negf %slice3A_126 : vector<4096x64xf32>
    %logistic3A_128 = math.exp %logistic3A_127 : vector<4096x64xf32>
    %logistic3A_129 = arith.constant 1.000000e+00 : f32
    %logistic3A_130 = vector.broadcast %logistic3A_129 : f32 to vector<4096x64xf32>
    %logistic3A_131 = arith.addf %logistic3A_130, %logistic3A_128 : vector<4096x64xf32>
    %logistic3A_132 = arith.divf %logistic3A_130, %logistic3A_131 : vector<4096x64xf32>
    %get3A_133 = arith.constant 0 : index
    %get3A_134 = arith.constant 0 : index
    %get3A_135 = vector.load %arg45[%get3A_133, %get3A_134] : memref<128x64xbf16, #tpu.memory_space<vmem>>, vector<128x64xbf16>
    %dot_general3A_136 = arith.constant dense<0.000000e+00> : vector<4096x64xf32>
    %dot_general3A_137 = tpu.matmul %concatenate3A_109, %get3A_135, %dot_general3A_136 {dimension_numbers = #tpu.dot_dimension_numbers<[1], [0], [0], [1], [0, 0, 1, 1], [], []>, transpose_lhs_hint = false} : vector<4096x128xbf16>, vector<128x64xbf16>, vector<4096x64xf32> -> vector<4096x64xf32>
    %get3A_138 = arith.constant 0 : index
    %get3A_139 = arith.constant 0 : index
    %get3A_140 = vector.load %arg22[%get3A_138, %get3A_139] : memref<1x192xf32, #tpu.memory_space<vmem>>, vector<1x192xf32>
    %slice3A_141 = vector.extract_strided_slice %get3A_140 {offsets = [0, 128], sizes = [1, 64], strides = [1, 1]} : vector<1x192xf32> to vector<1x64xf32>
    %add3A_142 = vector.broadcast %slice3A_141 : vector<1x64xf32> to vector<4096x64xf32>
    %add3A_143 = arith.addf %dot_general3A_137, %add3A_142 : vector<4096x64xf32>
    %get3A_144 = arith.constant 0 : index
    %get3A_145 = arith.constant 0 : index
    %get3A_146 = vector.load %arg46[%get3A_144, %get3A_145] : memref<64x64xbf16, #tpu.memory_space<vmem>>, vector<64x64xbf16>
    %dot_general3A_147 = arith.constant dense<0.000000e+00> : vector<4096x64xf32>
    %dot_general3A_148 = tpu.matmul %convert_element_type3A_4, %get3A_146, %dot_general3A_147 {dimension_numbers = #tpu.dot_dimension_numbers<[1], [0], [0], [1], [0, 0, 1, 1], [], []>, transpose_lhs_hint = false} : vector<4096x64xbf16>, vector<64x64xbf16>, vector<4096x64xf32> -> vector<4096x64xf32>
    %get3A_149 = arith.constant 0 : index
    %get3A_150 = arith.constant 0 : index
    %get3A_151 = vector.load %arg24[%get3A_149, %get3A_150] : memref<1x192xf32, #tpu.memory_space<vmem>>, vector<1x192xf32>
    %slice3A_152 = vector.extract_strided_slice %get3A_151 {offsets = [0, 128], sizes = [1, 64], strides = [1, 1]} : vector<1x192xf32> to vector<1x64xf32>
    %add3A_153 = vector.broadcast %slice3A_152 : vector<1x64xf32> to vector<4096x64xf32>
    %add3A_154 = arith.addf %dot_general3A_148, %add3A_153 : vector<4096x64xf32>
    %mul3A_155 = arith.mulf %logistic3A_125, %add3A_154 : vector<4096x64xf32>
    %add3A_156 = arith.addf %add3A_143, %mul3A_155 : vector<4096x64xf32>
    %tanh3A = math.tanh %add3A_156 : vector<4096x64xf32>
    %sub3A = arith.constant 1.000000e+00 : f32
    %sub3A_157 = vector.broadcast %sub3A : f32 to vector<4096x64xf32>
    %sub3A_158 = arith.subf %sub3A_157, %logistic3A_132 : vector<4096x64xf32>
    %mul3A_159 = arith.mulf %sub3A_158, %tanh3A : vector<4096x64xf32>
    %mul3A_160 = arith.mulf %logistic3A_132, %get3A_3 : vector<4096x64xf32>
    %add3A_161 = arith.addf %mul3A_159, %mul3A_160 : vector<4096x64xf32>
    %sub3A_162 = arith.subf %add3A_161, %get3A_3 : vector<4096x64xf32>
    %mul3A_163 = arith.mulf %reshape3A, %sub3A_162 : vector<4096x64xf32>
    %add3A_164 = arith.addf %get3A_3, %mul3A_163 : vector<4096x64xf32>
    %swap3A = arith.constant 0 : index
    %swap3A_165 = arith.constant 0 : index
    %swap3A_166 = vector.load %arg31[%swap3A, %swap3A_165] : memref<4096x64xf32, #tpu.memory_space<vmem>>, vector<4096x64xf32>
    tpu.vector_store %arg31[%swap3A, %swap3A_165], %add3A_164 {strides = array<i32>} : memref<4096x64xf32, #tpu.memory_space<vmem>>, vector<4096x64xf32>,
    %convert_element_type3A_167 = arith.truncf %add3A_164 : vector<4096x64xf32> to vector<4096x64xbf16>
    %get3A_168 = arith.constant 0 : index
    %get3A_169 = arith.constant 0 : index
    %get3A_170 = vector.load %arg47[%get3A_168, %get3A_169] : memref<64x64xbf16, #tpu.memory_space<vmem>>, vector<64x64xbf16>
    %dot_general3A_171 = arith.constant dense<0.000000e+00> : vector<4096x64xf32>
    %dot_general3A_172 = tpu.matmul %convert_element_type3A_167, %get3A_170, %dot_general3A_171 {dimension_numbers = #tpu.dot_dimension_numbers<[1], [0], [0], [1], [0, 0, 1, 1], [], []>, transpose_lhs_hint = false} : vector<4096x64xbf16>, vector<64x64xbf16>, vector<4096x64xf32> -> vector<4096x64xf32>
    %get3A_173 = arith.constant 0 : index
    %get3A_174 = arith.constant 0 : index
    %get3A_175 = vector.load %arg48[%get3A_173, %get3A_174] : memref<4096x64xbf16, #tpu.memory_space<vmem>>, vector<4096x64xbf16>
    %convert_element_type3A_176 = arith.extf %get3A_175 : vector<4096x64xbf16> to vector<4096x64xf32>
    %add3A_177 = arith.addf %dot_general3A_172, %convert_element_type3A_176 : vector<4096x64xf32>
    %max3A_178 = arith.constant 0.000000e+00 : f32
    %max3A_179 = vector.broadcast %max3A_178 : f32 to vector<4096x64xf32>
    %max3A_180 = arith.maximumf %add3A_177, %max3A_179 : vector<4096x64xf32>
    %convert_element_type3A_181 = arith.truncf %max3A_180 : vector<4096x64xf32> to vector<4096x64xbf16>
    %get3A_182 = arith.constant 0 : index
    %get3A_183 = arith.constant 0 : index
    %get3A_184 = vector.load %arg49[%get3A_182, %get3A_183] : memref<64x1xbf16, #tpu.memory_space<vmem>>, vector<64x1xbf16>
    %dot_general3A_185 = arith.constant dense<0.000000e+00> : vector<4096x1xf32>
    %dot_general3A_186 = tpu.matmul %convert_element_type3A_181, %get3A_184, %dot_general3A_185 {dimension_numbers = #tpu.dot_dimension_numbers<[1], [0], [0], [1], [0, 0, 1, 1], [], []>, transpose_lhs_hint = false} : vector<4096x64xbf16>, vector<64x1xbf16>, vector<4096x1xf32> -> vector<4096x1xf32>
    %get3A_187 = arith.constant 0 : index
    %get3A_188 = arith.constant 0 : index
    %get3A_189 = vector.load %arg38[%get3A_187, %get3A_188] : memref<4096x1xf32, #tpu.memory_space<vmem>>, vector<4096x1xf32>
    %add3A_190 = arith.addf %dot_general3A_186, %get3A_189 : vector<4096x1xf32>
    %logistic3A_191 = arith.negf %add3A_190 : vector<4096x1xf32>
    %logistic3A_192 = math.exp %logistic3A_191 : vector<4096x1xf32>
    %logistic3A_193 = arith.constant 1.000000e+00 : f32
    %logistic3A_194 = vector.broadcast %logistic3A_193 : f32 to vector<4096x1xf32>
    %logistic3A_195 = arith.addf %logistic3A_194, %logistic3A_192 : vector<4096x1xf32>
    %logistic3A_196 = arith.divf %logistic3A_194, %logistic3A_195 : vector<4096x1xf32>
    %reshape3A_197 = vector.shape_cast %logistic3A_196 : vector<4096x1xf32> to vector<1x4096x1xf32>
    %swap3A_198 = arith.constant 0 : index
    %swap3A_199 = arith.constant 0 : index
    %swap3A_200 = arith.constant 0 : index
    %swap3A_201 = vector.load %arg30[%swap3A_198, %swap3A_199, %swap3A_200] : memref<1x4096x1xf32, #tpu.memory_space<vmem>>, vector<1x4096x1xf32>
    tpu.vector_store %arg30[%swap3A_198, %swap3A_199, %swap3A_200], %reshape3A_197 {strides = array<i32>} : memref<1x4096x1xf32, #tpu.memory_space<vmem>>, vector<1x4096x1xf32>,
    return
  }
  func.func @transform_0(%arg0: i32) -> (i32, i32, i32) {
    %c0_i32 = arith.constant 0 : i32
    %c0_i32_0 = arith.constant 0 : i32
    %c0_i32_1 = arith.constant 0 : i32
    return %arg0, %c0_i32, %c0_i32_0 : i32, i32, i32
  }
  func.func @transform_1(%arg0: i32) -> (i32, i32, i32) {
    %c0_i32 = arith.constant 0 : i32
    %c0_i32_0 = arith.constant 0 : i32
    %c0_i32_1 = arith.constant 0 : i32
    return %arg0, %c0_i32, %c0_i32_0 : i32, i32, i32
  }
  func.func @transform_2(%arg0: i32) -> (i32, i32) {
    %c0_i32 = arith.constant 0 : i32
    %c0_i32_0 = arith.constant 0 : i32
    %c0_i32_1 = arith.constant 0 : i32
    return %c0_i32, %c0_i32_0 : i32, i32
  }
  func.func @transform_3(%arg0: i32) -> (i32, i32) {
    %c0_i32 = arith.constant 0 : i32
    %c0_i32_0 = arith.constant 0 : i32
    %c0_i32_1 = arith.constant 0 : i32
    return %c0_i32, %c0_i32_0 : i32, i32
  }
  func.func @transform_4(%arg0: i32) -> (i32, i32) {
    %c0_i32 = arith.constant 0 : i32
    %c0_i32_0 = arith.constant 0 : i32
    %c0_i32_1 = arith.constant 0 : i32
    return %c0_i32, %c0_i32_0 : i32, i32
  }
  func.func @transform_5(%arg0: i32) -> (i32, i32) {
    %c0_i32 = arith.constant 0 : i32
    %c0_i32_0 = arith.constant 0 : i32
    %c0_i32_1 = arith.constant 0 : i32
    return %c0_i32, %c0_i32_0 : i32, i32
  }
  func.func @transform_6(%arg0: i32) -> (i32, i32) {
    %c0_i32 = arith.constant 0 : i32
    %c0_i32_0 = arith.constant 0 : i32
    %c0_i32_1 = arith.constant 0 : i32
    return %c0_i32, %c0_i32_0 : i32, i32
  }
  func.func @transform_7(%arg0: i32) -> (i32, i32) {
    %c0_i32 = arith.constant 0 : i32
    %c0_i32_0 = arith.constant 0 : i32
    %c0_i32_1 = arith.constant 0 : i32
    return %c0_i32, %c0_i32_0 : i32, i32
  }
  func.func @transform_8(%arg0: i32) -> (i32, i32) {
    %c0_i32 = arith.constant 0 : i32
    %c0_i32_0 = arith.constant 0 : i32
    %c0_i32_1 = arith.constant 0 : i32
    return %c0_i32, %c0_i32_0 : i32, i32
  }
  func.func @transform_9(%arg0: i32) -> (i32, i32) {
    %c0_i32 = arith.constant 0 : i32
    %c0_i32_0 = arith.constant 0 : i32
    %c0_i32_1 = arith.constant 0 : i32
    return %c0_i32, %c0_i32_0 : i32, i32
  }
  func.func @transform_10(%arg0: i32) -> (i32, i32) {
    %c0_i32 = arith.constant 0 : i32
    %c0_i32_0 = arith.constant 0 : i32
    %c0_i32_1 = arith.constant 0 : i32
    return %c0_i32, %c0_i32_0 : i32, i32
  }
  func.func @transform_11(%arg0: i32) -> (i32, i32) {
    %c0_i32 = arith.constant 0 : i32
    %c0_i32_0 = arith.constant 0 : i32
    %c0_i32_1 = arith.constant 0 : i32
    return %c0_i32, %c0_i32_0 : i32, i32
  }
  func.func @transform_12(%arg0: i32) -> (i32, i32) {
    %c0_i32 = arith.constant 0 : i32
    %c0_i32_0 = arith.constant 0 : i32
    %c0_i32_1 = arith.constant 0 : i32
    return %c0_i32, %c0_i32_0 : i32, i32
  }
  func.func @transform_13(%arg0: i32) -> (i32, i32) {
    %c0_i32 = arith.constant 0 : i32
    %c0_i32_0 = arith.constant 0 : i32
    %c0_i32_1 = arith.constant 0 : i32
    return %c0_i32, %c0_i32_0 : i32, i32
  }
  func.func @transform_14(%arg0: i32) -> (i32, i32) {
    %c0_i32 = arith.constant 0 : i32
    %c0_i32_0 = arith.constant 0 : i32
    %c0_i32_1 = arith.constant 0 : i32
    return %c0_i32, %c0_i32_0 : i32, i32
  }
  func.func @transform_15(%arg0: i32) -> (i32, i32) {
    %c0_i32 = arith.constant 0 : i32
    %c0_i32_0 = arith.constant 0 : i32
    %c0_i32_1 = arith.constant 0 : i32
    return %c0_i32, %c0_i32_0 : i32, i32
  }
  func.func @transform_16(%arg0: i32) -> (i32, i32) {
    %c0_i32 = arith.constant 0 : i32
    %c0_i32_0 = arith.constant 0 : i32
    %c0_i32_1 = arith.constant 0 : i32
    return %c0_i32, %c0_i32_0 : i32, i32
  }
  func.func @transform_17(%arg0: i32) -> (i32, i32) {
    %c0_i32 = arith.constant 0 : i32
    %c0_i32_0 = arith.constant 0 : i32
    %c0_i32_1 = arith.constant 0 : i32
    return %c0_i32, %c0_i32_0 : i32, i32
  }
  func.func @transform_18(%arg0: i32) -> (i32, i32) {
    %c0_i32 = arith.constant 0 : i32
    %c0_i32_0 = arith.constant 0 : i32
    %c0_i32_1 = arith.constant 0 : i32
    return %c0_i32, %c0_i32_0 : i32, i32
  }
  func.func @transform_19(%arg0: i32) -> (i32, i32) {
    %c0_i32 = arith.constant 0 : i32
    %c0_i32_0 = arith.constant 0 : i32
    %c0_i32_1 = arith.constant 0 : i32
    return %c0_i32, %c0_i32_0 : i32, i32
  }
  func.func @transform_20(%arg0: i32) -> (i32, i32) {
    %c0_i32 = arith.constant 0 : i32
    %c0_i32_0 = arith.constant 0 : i32
    %c0_i32_1 = arith.constant 0 : i32
    return %c0_i32, %c0_i32_0 : i32, i32
  }
  func.func @transform_21(%arg0: i32) -> (i32, i32) {
    %c0_i32 = arith.constant 0 : i32
    %c0_i32_0 = arith.constant 0 : i32
    %c0_i32_1 = arith.constant 0 : i32
    return %c0_i32, %c0_i32_0 : i32, i32
  }
  func.func @transform_22(%arg0: i32) -> (i32, i32) {
    %c0_i32 = arith.constant 0 : i32
    %c0_i32_0 = arith.constant 0 : i32
    %c0_i32_1 = arith.constant 0 : i32
    return %c0_i32, %c0_i32_0 : i32, i32
  }
  func.func @transform_23(%arg0: i32) -> (i32, i32) {
    %c0_i32 = arith.constant 0 : i32
    %c0_i32_0 = arith.constant 0 : i32
    %c0_i32_1 = arith.constant 0 : i32
    return %c0_i32, %c0_i32_0 : i32, i32
  }
  func.func @transform_24(%arg0: i32) -> (i32, i32) {
    %c0_i32 = arith.constant 0 : i32
    %c0_i32_0 = arith.constant 0 : i32
    %c0_i32_1 = arith.constant 0 : i32
    return %c0_i32, %c0_i32_0 : i32, i32
  }
  func.func @transform_25(%arg0: i32) -> (i32, i32) {
    %c0_i32 = arith.constant 0 : i32
    %c0_i32_0 = arith.constant 0 : i32
    %c0_i32_1 = arith.constant 0 : i32
    return %c0_i32, %c0_i32_0 : i32, i32
  }
  func.func @transform_26(%arg0: i32) -> (i32, i32) {
    %c0_i32 = arith.constant 0 : i32
    %c0_i32_0 = arith.constant 0 : i32
    %c0_i32_1 = arith.constant 0 : i32
    return %c0_i32, %c0_i32_0 : i32, i32
  }
  func.func @transform_27(%arg0: i32) -> (i32, i32) {
    %c0_i32 = arith.constant 0 : i32
    %c0_i32_0 = arith.constant 0 : i32
    %c0_i32_1 = arith.constant 0 : i32
    return %c0_i32, %c0_i32_0 : i32, i32
  }
  func.func @transform_28(%arg0: i32) -> (i32, i32) {
    %c0_i32 = arith.constant 0 : i32
    %c0_i32_0 = arith.constant 0 : i32
    %c0_i32_1 = arith.constant 0 : i32
    return %c0_i32, %c0_i32_0 : i32, i32
  }
  func.func @transform_29(%arg0: i32) -> (i32, i32, i32) {
    %c0_i32 = arith.constant 0 : i32
    %c0_i32_0 = arith.constant 0 : i32
    %c0_i32_1 = arith.constant 0 : i32
    return %arg0, %c0_i32, %c0_i32_0 : i32, i32, i32
  }
}

</mosaic_0001>

<sc_bundles>
// kernel: kernel.4.cloned.1.call-start
scs
__scs_entry_jumppad:
0x0: {  	(pc) =	sbr.rel $0x88, $3  }
0x1: {  	(tag) =	ssettag $0x0;
	lr =	simm.s32 $0x1  }
0x2: {  	[smem:$0x3F84] =	sst lr;
	_ =	strace $0xD0000000  }
0x3: {  	_ = 	snop  }
0x4: {  	_ = 	snop  }
0x5: {  	_ = 	snop  }
0x6: {  	_ = 	snop  }
0x7: {  	_ = 	snop  }
__scs_overlays_trampoline_lowered:
0x8: {  	[smem:$0x3F93] =	sst s0  }
0x9: {  	[smem:$0x3F94] =	sst s1  }
0xa: {  	[smem:$0x3F95] =	sst s2  }
0xb: {  	[smem:$0x3F96] =	sst s3  }
0xc: {  	[smem:$0x3F97] =	sst s4  }
0xd: {  	[smem:$0x3F98] =	sst s5  }
0xe: {  	[smem:$0x3F99] =	sst s6  }
0xf: {  	[smem:$0x3F9A] =	sst s7  }
0x10: {  	[smem:$0x3F9B] =	sst s8  }
0x11: {  	[smem:$0x3F9C] =	sst s9;
	s0 =	simm.s32 @!p0 $0x0  }
0x12: {  	s1 =	sld [smem:$0x3F82];
	s0 =	simm.s32 @p0 $0x1  }
0x13: {  	[smem:$0x3F9D] =	sst s0;
	s0 =	simm.s32 @!p1 $0x0  }
0x14: {  	s2 =	sld [smem:$0x3F81];
	s0 =	simm.s32 @p1 $0x1  }
0x15: {  	[smem:$0x3F9E] =	sst s0;
	s0 =	simm.s32 @!p2 $0x0  }
0x16: {  	s3 =	sld [smem:$0x3FDB];
	s0 =	simm.s32 @p2 $0x1  }
0x17: {  	s4 =	simm.s32 $0x1BF5;
	[smem:$0x3FA0] =	sst s0  }
0x18: {  	s0 =	sld [smem:$0x3F83];
	_ =	swait.ge [sflag:s4], $0x0  }
0x19: {  	s7 =	sld [smem:$0x3F84]  }
0x1a: {  	s8 =	sadd.s32 $0xFFFFE003, lr  }
0x1b: {  	s9 =	sadd.s32 $0xFFFFFEF7, lr;
	s5 =	simm.s32 $0xFFFFFFFF;
	p2 =	slt.u32 s8, $0xFFFFF086  }
0x1c: {  	p1 =	slt.u32 s9, $0xF7A;
	s5 =	simm.s32 @!p2 $0x0  }
0x1d: {  	s5 =	simm.s32 @p1 $0x1;
	p0 =	seq.s32 s7, s2  }
0x1e: {  	s7 =	smul.u32 @!p0 $0xF7A, s2;
	p2 =	seq.s32 @!p0 s5, $0x0  }
0x1f: {  	s9 =	smul.u32 $0xF7A, s1;
	s8 =	simm.s32 @!p0 $0x1BF5;
	p2 =	por !p2, p0  }
0x20: {  	[sflag:s8] =	ssyncset.s32 @!p0 $0xFFFFF086;
	s6 =	sadd.s32 @!p0 s3, s7;
	s7 =	simm.s32 @!p0 $0x108  }
0x21: {  	s3 =	sadd.s32 s3, s9;
	s6 =	sadd.s32 @!p0 $0x88, s6;
	s7 =	simm.s32 @p2 $0x1082  }
0x22: {  	[simem:s7], [sflag:s8] =	dma.local @!p0 [hbm:s6], $0xF7A  }
0x23: {  	s9 =	sor.u32 $0xD0000000, s2;
	s6 =	simm.s32 $0x108;
	_ =	swait.ge @!p0 [sflag:s8], $0x0  }
0x24: {  	s3 =	sadd.s32 $0x88, s3;
	s6 =	simm.s32 @!p1 $0x1082;
	[sflag:s4] =	ssyncset.s32 $0xFFFFF086  }
0x25: {  	[simem:s6], [sflag:s4] =	dma.local [hbm:s3], $0xF7A  }
0x26: {  	[smem:$0x3F84] =	sst s1;
	(tag) =	ssettag s2;
	_ =	strace s9  }
0x27: {  	s1 =	sld [smem:$0x3F94]  }
0x28: {  	s2 =	sld [smem:$0x3F95]  }
0x29: {  	s4 =	sld [smem:$0x3F97]  }
0x2a: {  	p0 =	seq.s32 s5, $0x0;
	s5 =	sld [smem:$0x3F98]  }
0x2b: {  	s6 =	sld [smem:$0x3F99]  }
0x2c: {  	s7 =	sld [smem:$0x3F9A]  }
0x2d: {  	s3 =	simm.s32 $0x108;
	s8 =	sld [smem:$0x3F9B]  }
0x2e: {  	s3 =	simm.s32 @!p0 $0x1082;
	s9 =	sld [smem:$0x3F9C]  }
0x2f: {  	lr =	sadd.s32 s0, s3;
	s0 =	sld [smem:$0x3F93]  }
0x30: {  	s3 =	sld [smem:$0x3F96]  }
0x31: {  	[smem:$0x3F9F] =	sst s10  }
0x32: {  	s10 =	sld [smem:$0x3F9D];
	_ =	sdelay $0x3  }
0x33: {  	p0 =	seq.s32 s10, $0x1;
	s10 =	sld [smem:$0x3F9F];
	_ =	sdelay $0x3  }
0x34: {  	[smem:$0x3F9F] =	sst s10  }
0x35: {  	s10 =	sld [smem:$0x3F9E];
	_ =	sdelay $0x3  }
0x36: {  	p1 =	seq.s32 s10, $0x1;
	s10 =	sld [smem:$0x3F9F];
	_ =	sdelay $0x3  }
0x37: {  	[smem:$0x3F9F] =	sst s10  }
0x38: {  	s10 =	sld [smem:$0x3FA0]  }
0x39: {  	_ = 	snop;
	(pc) =	sbr.ind lr, $3  }
0x3a: {  	_ = 	snop  }
0x3b: {  	_ = 	snop  }
0x3c: {  	p2 =	seq.s32 s10, $0x1;
	s10 =	sld [smem:$0x3F9F]  }
0x3d: {  	_ =	shalt  }
0x3e: {  	_ =	shalt  }
0x3f: {  	_ =	shalt  }
0x40: {  	_ =	shalt  }
0x41: {  	_ =	shalt  }
0x42: {  	_ =	shalt  }
0x43: {  	_ =	shalt  }
0x44: {  	_ =	shalt  }
0x45: {  	_ =	shalt  }
0x46: {  	_ =	shalt  }
0x47: {  	_ =	shalt  }
0x48: {  	_ =	shalt  }
0x49: {  	_ =	shalt  }
0x4a: {  	_ =	shalt  }
0x4b: {  	_ =	shalt  }
0x4c: {  	_ =	shalt  }
0x4d: {  	_ =	shalt  }
0x4e: {  	_ =	shalt  }
0x4f: {  	_ =	shalt  }
0x50: {  	_ =	shalt  }
0x51: {  	_ =	shalt  }
0x52: {  	_ =	shalt  }
0x53: {  	_ =	shalt  }
0x54: {  	_ =	shalt  }
0x55: {  	_ =	shalt  }
0x56: {  	_ =	shalt  }
0x57: {  	_ =	shalt  }
0x58: {  	_ =	shalt  }
0x59: {  	_ =	shalt  }
0x5a: {  	_ =	shalt  }
0x5b: {  	_ =	shalt  }
0x5c: {  	_ =	shalt  }
0x5d: {  	_ =	shalt  }
0x5e: {  	_ =	shalt  }
0x5f: {  	_ =	shalt  }
0x60: {  	_ =	shalt  }
0x61: {  	_ =	shalt  }
0x62: {  	_ =	shalt  }
0x63: {  	_ =	shalt  }
0x64: {  	_ =	shalt  }
0x65: {  	_ =	shalt  }
0x66: {  	_ =	shalt  }
0x67: {  	_ =	shalt  }
0x68: {  	_ =	shalt  }
0x69: {  	_ =	shalt  }
0x6a: {  	_ =	shalt  }
0x6b: {  	_ =	shalt  }
0x6c: {  	_ =	shalt  }
0x6d: {  	_ =	shalt  }
0x6e: {  	_ =	shalt  }
0x6f: {  	_ =	shalt  }
0x70: {  	_ =	shalt  }
0x71: {  	_ =	shalt  }
0x72: {  	_ =	shalt  }
0x73: {  	_ =	shalt  }
0x74: {  	_ =	shalt  }
0x75: {  	_ =	shalt  }
0x76: {  	_ =	shalt  }
0x77: {  	_ =	shalt  }
0x78: {  	_ =	shalt  }
0x79: {  	_ =	shalt  }
0x7a: {  	_ =	shalt  }
0x7b: {  	_ =	shalt  }
0x7c: {  	_ =	shalt  }
0x7d: {  	_ =	shalt  }
0x7e: {  	_ =	shalt  }
0x7f: {  	_ =	shalt  }
0x80: {  	_ =	shalt  }
0x81: {  	_ =	shalt  }
0x82: {  	_ =	shalt  }
0x83: {  	_ =	shalt  }
0x84: {  	_ =	shalt  }
0x85: {  	_ =	shalt  }
0x86: {  	_ =	shalt  }
0x87: {  	_ =	shalt  }
.Lfunc_end0:
.L_simem_size_0:
called_computation_lowered:
.L_overlay_start_0:
0x88: {  	s2 =	sld [smem:$0x3FD9]  }
0x89: {  	s3 =	sld [smem:$0x3FFE];
	_ =	sdelay $0x1  }
0x8a: {  	s1 =	srdreg.scid  }
0x8b: {  	s0 =	sand.u32 $0x1, s1  }
0x8c: {  	s17 =	sshll.u32 s0, $0xA;
	s2 =	sadd.s32 s3, s2  }
0x8d: {  	s2 =	sadd.s32 s2, s17  }
0x8e: {  	[smem:$0x3FAB] =	sst s2  }
0x8f: {  	_ = 	snop  }
0x90: {  	s2 =	sld [smem:$0x3FC6]  }
0x91: {  	s18 =	sld [smem:$0x3FD0];
	(tm) =	ssettm $0x1  }
0x92: {  	s4 =	sld [smem:$0x3FFB];
	_ =	sdelay $0x3  }
0x93: {  	_ =	strace s4  }
0x94: {  	s4 =	sld [smem:$0x3FFC];
	_ =	sdelay $0x3  }
0x95: {  	_ =	strace s4  }
0x96: {  	s4 =	sld [smem:$0x3FFD];
	_ =	sdelay $0x3  }
0x97: {  	_ =	strace s4  }
0x98: {  	_ =	strace $0x8FFFFFFF  }
0x99: {  	s19 =	sld [smem:$0x3FDB];
	_ =	sdelay $0x1  }
0x9a: {  	s5 =	simm.s32 $_scs_section_size  }
0x9b: {  	s6 =	simm.s32 $_size__tile_overlayer_lowered;
	s7 =	simm.s32 $_tile_overlayer_lowered  }
0x9c: {  	s22 =	simm.s32 $0x1BFF;
	s21 =	sshll.u32 s7, $0x1;
	s4 =	sadd.s32 s5, s19  }
0x9d: {  	s8 =	simm.s32 $0x0;
	s20 =	sshll.u32 s6, $0x1;
	s6 =	sadd.s32 s21, s4  }
0x9e: {  	[timem:s8], [sflag:s22] =	dma.local [hbm:s6], s20  }
0x9f: {  	_ =	swait.ge [sflag:s22], s20  }
0xa0: {  	s5 =	ssub.s32 $0x0, s20;
	[sflag:s22] =	ssyncset.done $0x0  }
0xa1: {  	[sflag:s22] =	ssyncadd.s32 s5;
	_ =	sdelay $0x1  }
0xa2: {  	s23 =	simm.s32 $0x1B8B  }
0xa3: {  	_ =	swait.ge [sflag:s23], $0x1  }
0xa4: {  	[sflag:s23] =	ssyncset.done $0x0  }
0xa5: {  	s25 =	simm.s32 $0x1B8E;
	s24 =	sld [smem:$0x3FFE];
	[sflag:s23] =	ssyncadd.s32 $0xFFFFFFFF  }
0xa6: {  	s26 =	simm.s32 $execute0_lowered;
	[smem:$0x3FD2] =	sst s25  }
0xa7: {  	s6 =	sshll.u32 s26, $0x1;
	_ =	strace $0x80000046;
	[dreg:$0x1] =	wrdreg $0xFFFFFFFF  }
0xa8: {  	s28 =	simm.s32 $_size_execute0_lowered;
	s4 =	sadd.s32 s4, s6;
	[dreg:$0x0] =	wrdreg $0x0  }
0xa9: {  	s6 =	sshll.u32 s28, $0x1;
	[dreg:$0x2] =	wrdreg s4  }
0xaa: {  	[dreg:$0x3] =	wrdreg s6  }
0xab: {  	[dreg:$0x4] =	wrdreg $0xC0  }
0xac: {  	_ =	task [dreg:s8], $0x5FFFF  }
0xad: {  	[dreg:$0x1] =	wrdreg $0xFFFFFFFF  }
0xae: {  	[dreg:$0x0] =	wrdreg $0x60  }
0xaf: {  	[dreg:$0x2] =	wrdreg s2  }
0xb0: {  	[dreg:$0x3] =	wrdreg s18  }
0xb1: {  	[dreg:$0x4] =	wrdreg s24  }
0xb2: {  	[dreg:$0x5] =	wrdreg $0x9  }
0xb3: {  	_ =	task.clear_ibuf [dreg:s8], $0x6FFFF;
	_ =	strace $0x90000046  }
0xb4: {  	s29 =	simm.s32 $0x9;
	_ =	strace $0x80000048  }
0xb5: {  	_ =	swait.ge [sflag:s29], $0x1  }
0xb6: {  	[sflag:s29] =	ssyncadd.s32 $0xFFFFFFFF  }
0xb7: {  	_ =	strace $0x90000048  }
0xb8: {  	_ =	sfence  }
0xb9: {  	s30 =	sld [smem:$0x0];
	_ =	sdelay $0x2  }
0xba: {  	s31 =	sshll.u32 s1, $0xD;
	s1 =	sshrl.u32 s1, $0x2  }
0xbb: {  	s3 =	sand.u32 $0x4000, s31;
	s1 =	sadd.s32 s1, s30  }
0xbc: {  	s0 =	sor.u32 s3, s0;
	s1 =	sshll.u32 s1, $0x11  }
0xbd: {  	s0 =	sor.u32 s1, s0  }
0xbe: {  	s0 =	sadd.s32 $0x8F2B, s0  }
0xbf: {  	[sflag:s0] =	ssyncadd.remote.s32 $0x1  }
0xc0: {  	_ =	sfence.sel $0xFFFF  }
0xc1: {  	[dreg:$0x0] =	wrdreg $0xFFFFFFFF;
	(pc) =	sbr.abs _section_cstart, $3  }
0xc2: {  	[dreg:$0x1] =	wrdreg $0xFFFFFFFF  }
0xc3: {  	_ =	task.clear_ibuf [dreg:s8], $0x2FFFF;
	_ =	strace $0x9FFFFFFF  }
0xc4: {  	(tm) =	ssettm $0x7FFFFFFF  }
0xc5: {  	_ =	shalt  }
tec
execute0_lowered:
.L_overlay_start_1:
0x0: {  	(tag) =	ssettag $0x1  }
0x1: {  	s1 =	rddreg [dreg:$0x0]  }
0x2: {  	s2 =	srdreg.scid;
	s0 =	stileid.u32  }
0x3: {  	s4 =	rddreg [dreg:$0x1];
	s6 =	sand.u32 $0x1, s2;
	s30 =	sshll.u32 s0, $0x1  }
0x4: {  	s9 =	rddreg [dreg:$0x2];
	s3 =	simm.s32 $0x0;
	s7 =	sor.u32 s6, s30  }
0x5: {  	s8 =	simm.s32 $0x1;
	[smem:$0x7FF] =	sst s3;
	s5 =	smul.u32 $0x3, s7  }
0x6: {  	s2 =	rddreg [dreg:$0x3];
	_ =	strace $0x80000047;
	s11 =	ssub.s32 $0x2, s6  }
0x7: {  	s6 =	simm.s32 $0x18;
	s5 =	sadd.s32 s4, s5;
	s4 =	simm.s32 $0x2  }
0x8: {  	[tilespmem:s3], [sflag:$0x2] =	stream.linear.gather [hbm4b:s5+s3], $0x18, $0x38;
	[tilespmem:$0xC80] =	vst v63  }
0x9: {  	s10 =	smul.u32 $0x180, s7;
	s12 =	sshrl.u32 s11, $0x1;
	_ =	swait.ge [sflag:s4], $0x18  }
0xa: {  	s7 =	simm.s32 $0x80;
	s31 =	ssub.s32 s11, s12;
	[sflag:s4] =	ssyncset.done $0x0  }
0xb: {  	s9 =	sadd.s32 s10, s9;
	s10 =	smax.u32 s31, $0x1;
	[sflag:s4] =	ssyncadd.s32 $0xFFFFFFE8  }
0xc: {  	[tilespmem:s7], [sflag:$0x1] =	stream.indirect.gather [hbm4b:s1+s6], $0x80, s3, s6, $0xb8;
	[tilespmem:$0xC80] =	vst v63  }
0xd: {  	p0 =	sne.s32 s10, $0x1;
	_ =	swait.ge [sflag:s8], $0xC00  }
.Ltmp0:
0xe: {  	[sflag:s8] =	ssyncset.done $0x0;
	(pc) =	sbr.rel @!p0 .LBB2_2-.Ltmp0, $4  }
0xf: {  	s9 =	sadd.s32 $0x3600, s9;
	[sflag:s8] =	ssyncadd.s32 $0xFFFFF400  }
0x10: {  	[hbm4b:s9+s3] =	stream.linear.scatter [tilespmem:s7], [sflag:$0x2], $0xC00, $0x38;
	[tilespmem:$0xC80] =	vst v63  }
0x11: {  	_ =	swait.ge [sflag:s4], $0xC00  }
0x12: {  	s10 =	sadd.s32 $0xFFFFFFFF, s10;
	[sflag:s4] =	ssyncset.done $0x0  }
.LBB2_1:
0x13: {  	p0 =	sne.s32 s10, $0x1;
	s10 =	sadd.s32 $0xFFFFFFFF, s10;
	[sflag:s4] =	ssyncadd.s32 $0xFFFFF400  }
0x14: {  	[tilespmem:s3], [sflag:$0x2] =	stream.linear.gather [hbm4b:s5+s3], $0x18, $0x38;
	[tilespmem:$0xC80] =	vst v63  }
0x15: {  	_ =	swait.ge [sflag:s4], $0x18  }
0x16: {  	[sflag:s4] =	ssyncset.done $0x0  }
0x17: {  	[sflag:s4] =	ssyncadd.s32 $0xFFFFFFE8  }
0x18: {  	[tilespmem:s7], [sflag:$0x1] =	stream.indirect.gather [hbm4b:s1+s6], $0x80, s3, s6, $0xb8;
	[tilespmem:$0xC80] =	vst v63  }
0x19: {  	_ =	swait.ge [sflag:s8], $0xC00  }
.Ltmp1:
0x1a: {  	[sflag:s8] =	ssyncset.done $0x0;
	(pc) =	sbr.rel @p0 .LBB2_1-.Ltmp1, $4  }
0x1b: {  	[sflag:s8] =	ssyncadd.s32 $0xFFFFF400  }
0x1c: {  	[hbm4b:s9+s3] =	stream.linear.scatter [tilespmem:s7], [sflag:$0x2], $0xC00, $0x38;
	[tilespmem:$0xC80] =	vst v63  }
0x1d: {  	_ =	swait.ge [sflag:s4], $0xC00  }
0x1e: {  	[sflag:s4] =	ssyncset.done $0x0  }
.LBB2_2:
0x1f: {  	[sflag:s4] =	ssyncadd.s32 $0xFFFFF400  }
0x20: {  	_ =	sfence.sel $0x180000  }
0x21: {  	[bflag:$0x0] =	sbarrier.arrive $0xFFFF  }
0x22: {  	p0 =	sne.s32 s0, $0x0;
	_ =	strace $0x90000047  }
0x23: {  	s0 =	sadd.s32 @!p0 $0x100000, s2;
	[bflag:$0x2] =	sbarrier.arrive $0xFFFF  }
0x24: {  	[sflag:s0] =	ssyncadd.tile.s32 @!p0 $0x1;
	_ =	shalt  }
.Lfunc_end2:
_tile_overlayer_lowered:
.L_overlay_start_2:
0x25: {  	(tag) =	ssettag $0x2  }
0x26: {  	s0 =	rddreg [dreg:$0x0];
	s2 =	stileid.u32  }
0x27: {  	s1 =	rddreg [dreg:$0x1];
	p0 =	sne.s32 s2, $0x0  }
0x28: {  	s3 =	rddreg [dreg:$0x2];
	[bflag:$0x3] =	sbarrier.arrive $0xFFFF;
	s2 =	simm.s32 @!p0 $0x1C02  }
0x29: {  	[timem:s3], [sflag:s2] =	dma.local @!p0 [hbm:s0], s1  }
0x2a: {  	s0 =	simm.s32 @!p0 $0x2  }
0x2b: {  	_ =	swait.ge @!p0 [sflag:s0], s1  }
0x2c: {  	s1 =	ssub.s32 @!p0 $0x0, s1;
	[sflag:s0] =	ssyncset.done @!p0 $0x0  }
0x2d: {  	[sflag:s0] =	ssyncadd.s32 @!p0 s1  }
0x2e: {  	[bflag:$0x3] =	sbarrier.arrive $0xFFFF  }
0x2f: {  	_ =	shalt  }

</sc_bundles>
